<compile_context>
chip_gen: v7x
topology: tpu7x:2x2x1
jax: 0.10.2.dev20260603
libtpu: 0.0.44.dev20260713+nightly
codegen_flags: <defaults>
</compile_context>

<pallas_src>
import functools

import jax
import jax.numpy as jnp
from jax import lax
from jax.experimental import pallas as pl
from jax.experimental.pallas import tpu as pltpu
from jax.experimental.pallas import tpu_sc as plsc

N_IN = 128
N_HID = 64
N_OUT = 4
D2 = 16
K = 128
NC, NS = 2, 16
NW = NC * NS
BM = 512
QB = 4

_mesh = plsc.VectorSubcoreMesh(
    core_axis_name="c", subcore_axis_name="s", num_cores=NC, num_subcores=NS
)
_sc_params = pltpu.CompilerParams(
    needs_layout_passes=False, use_tc_tiling_on_sc=False
)


def _sc_degree(dst2d, zrow, npad):
    per_w = dst2d.shape[0] // NW

    @functools.partial(
        pl.kernel,
        out_type=jax.ShapeDtypeStruct((NW, npad), jnp.float32),
        mesh=_mesh,
        scratch_types=[
            pltpu.VMEM((per_w, K), jnp.int32),
            pltpu.VMEM((npad,), jnp.float32),
        ],
        compiler_params=_sc_params,
    )
    def deg_kernel(dst_hbm, z_hbm, out_hbm, idx_v, deg_v):
        c = lax.axis_index("c")
        s = lax.axis_index("s")
        w = c * NS + s
        pltpu.sync_copy(dst_hbm.at[pl.ds(w * per_w, per_w)], idx_v)
        pltpu.sync_copy(z_hbm, deg_v)
        ones = jnp.full((16,), 1.0, jnp.float32)

        @pl.loop(0, per_w)
        def _(j):
            for i in range(K // 16):
                plsc.addupdate_scatter(deg_v, [idx_v[j, pl.ds(i * 16, 16)]], ones)

        pltpu.sync_copy(deg_v, out_hbm.at[w])

    return deg_kernel(dst2d, zrow)


def _sc_aggregate(g, src3d, dst3d, zblock):
    nq = src3d.shape[0] // NW
    npad, d = g.shape
    slc = npad // NS

    @functools.partial(
        pl.kernel,
        out_type=jax.ShapeDtypeStruct((NC, npad, d), jnp.float32),
        mesh=_mesh,
        scratch_types=[
            pltpu.VMEM((nq, QB * K), jnp.int32),
            pltpu.VMEM((nq, QB * K), jnp.int32),
            pltpu.VMEM((QB * K, d), jnp.float32),
            pltpu.VMEM_SHARED((npad, d), jnp.float32),
            pltpu.SemaphoreType.DMA,
        ],
        compiler_params=_sc_params,
    )
    def agg_kernel(g_hbm, src_hbm, dst_hbm, z_hbm, out_hbm,
                   sidx_v, didx_v, rows_v, accum, gsem):
        c = lax.axis_index("c")
        s = lax.axis_index("s")
        w = c * NS + s
        pltpu.sync_copy(src_hbm.at[pl.ds(w * nq, nq)], sidx_v)
        pltpu.sync_copy(dst_hbm.at[pl.ds(w * nq, nq)], didx_v)
        pltpu.sync_copy(z_hbm.at[pl.ds(s * slc, slc)],
                        accum.at[pl.ds(s * slc, slc)])
        plsc.subcore_barrier()

        @pl.loop(0, nq)
        def _(j):
            pltpu.async_copy(g_hbm.at[sidx_v.at[j]], rows_v, gsem).wait()
            pltpu.sync_copy(rows_v, accum.at[didx_v.at[j]], add=True)

        plsc.subcore_barrier()
        pltpu.sync_copy(accum.at[pl.ds(s * slc, slc)],
                        out_hbm.at[c].at[pl.ds(s * slc, slc)])

    return agg_kernel(g, src3d, dst3d, zblock)


def _tc_layer1(xpad, W1, degP):
    npad = xpad.shape[0]

    def body(x_ref, w_ref, dp_ref, g_ref, dis_ref):
        deg = jnp.sum(dp_ref[...], axis=0) + 1.0
        dis = lax.rsqrt(deg)[:, None]
        h = jnp.dot(x_ref[...], w_ref[...], preferred_element_type=jnp.float32)
        g_ref[...] = h * dis
        dis_ref[...] = dis

    return pl.pallas_call(
        body,
        grid=(npad // BM,),
        in_specs=[
            pl.BlockSpec((BM, N_IN), lambda i: (i, 0)),
            pl.BlockSpec((N_IN, N_HID), lambda i: (0, 0)),
            pl.BlockSpec((NW, BM), lambda i: (0, i)),
        ],
        out_specs=[
            pl.BlockSpec((BM, N_HID), lambda i: (i, 0)),
            pl.BlockSpec((BM, 1), lambda i: (i, 0)),
        ],
        out_shape=[
            jax.ShapeDtypeStruct((npad, N_HID), jnp.float32),
            jax.ShapeDtypeStruct((npad, 1), jnp.float32),
        ],
    )(xpad, W1, degP)


def _tc_layer2_in(S1, g1, dis, b1r, W2p):
    npad = g1.shape[0]

    def body(s_ref, g_ref, d_ref, b_ref, w_ref, o_ref):
        S = s_ref[0] + s_ref[1] + g_ref[...]
        h = jnp.maximum(d_ref[...] * S + b_ref[...], 0.0)
        o_ref[...] = (
            jnp.dot(h, w_ref[...], preferred_element_type=jnp.float32)
            * d_ref[...]
        )

    return pl.pallas_call(
        body,
        grid=(npad // BM,),
        in_specs=[
            pl.BlockSpec((NC, BM, N_HID), lambda i: (0, i, 0)),
            pl.BlockSpec((BM, N_HID), lambda i: (i, 0)),
            pl.BlockSpec((BM, 1), lambda i: (i, 0)),
            pl.BlockSpec((1, N_HID), lambda i: (0, 0)),
            pl.BlockSpec((N_HID, D2), lambda i: (0, 0)),
        ],
        out_specs=pl.BlockSpec((BM, D2), lambda i: (i, 0)),
        out_shape=jax.ShapeDtypeStruct((npad, D2), jnp.float32),
    )(S1, g1, dis, b1r, W2p)


def _tc_final(S2, g2, dis, b2p, n):
    bm = 400
    assert n % bm == 0

    def body(s_ref, g_ref, d_ref, b_ref, o_ref):
        full = d_ref[...] * (s_ref[0] + s_ref[1] + g_ref[...]) + b_ref[...]
        o_ref[...] = full[:, :N_OUT]

    return pl.pallas_call(
        body,
        grid=(n // bm,),
        in_specs=[
            pl.BlockSpec((NC, bm, D2), lambda i: (0, i, 0)),
            pl.BlockSpec((bm, D2), lambda i: (i, 0)),
            pl.BlockSpec((bm, 1), lambda i: (i, 0)),
            pl.BlockSpec((1, D2), lambda i: (0, 0)),
        ],
        out_specs=pl.BlockSpec((bm, N_OUT), lambda i: (i, 0)),
        out_shape=jax.ShapeDtypeStruct((n, N_OUT), jnp.float32),
    )(S2, g2, dis, b2p)


def kernel(x, edge_index, W1, b1, W2, b2):
    n = x.shape[0]
    src = edge_index[0].astype(jnp.int32)
    dst = edge_index[1].astype(jnp.int32)
    e = src.shape[0]

    npad = -(-(n + 1) // BM) * BM
    rows_pad = -(-(-(-e // K)) // (NW * QB)) * NW * QB
    ep = rows_pad * K
    pad = jnp.full((ep - e,), n, jnp.int32)
    src3d = jnp.concatenate([src, pad]).reshape(rows_pad // QB, QB * K)
    dst3d = jnp.concatenate([dst, pad]).reshape(rows_pad // QB, QB * K)
    dst2d = dst3d.reshape(rows_pad, K)

    xpad = jnp.pad(x, ((0, npad - n), (0, 0)))
    W2p = jnp.pad(W2, ((0, 0), (0, D2 - N_OUT)))
    b1r = b1.reshape(1, N_HID)
    b2p = jnp.pad(b2, (0, D2 - N_OUT)).reshape(1, D2)
    z1 = jnp.zeros((npad,), jnp.float32)
    z64 = jnp.zeros((npad, N_HID), jnp.float32)
    z16 = jnp.zeros((npad, D2), jnp.float32)

    degP = _sc_degree(dst2d, z1, npad)
    g1, dis = _tc_layer1(xpad, W1, degP)
    S1 = _sc_aggregate(g1, src3d, dst3d, z64)
    g2 = _tc_layer2_in(S1, g1, dis, b1r, W2p)
    S2 = _sc_aggregate(g2, src3d, dst3d, z16)
    return _tc_final(S2, g2, dis, b2p, n)

# --- scband reference (transcript-rebuilt; emitter-appended) ---
"""Pipeline reference for scband-gcn-9929964388496 (READ-ONLY COPY).

The authoritative reference and input builder live on the scoring server;
editing this copy changes nothing except your own understanding.
"""

import jax, jax.numpy as jnp
import numpy as np

N_NODES = 10000
D_IN = 128
D_HID = 64
D_OUT = 4
N_EDGES = 320000


def glorot(key, shape):
    fan_in, fan_out = shape[0], shape[1]
    limit = np.sqrt(6.0 / (fan_in + fan_out))
    return jax.random.uniform(key, shape, jnp.float32, -limit, limit)


def setup_inputs(seed: int = 0) -> dict:
    key = jax.random.key(seed)
    k1, k2, k3, k4 = jax.random.split(key, 4)
    x = jax.random.normal(k1, (N_NODES, D_IN), dtype=jnp.float32)
    edge_index = jax.random.randint(k2, (2, N_EDGES), 0, N_NODES, dtype=jnp.int64)
    W1 = glorot(k3, (D_IN, D_HID))
    b1 = jnp.zeros((D_HID,), dtype=jnp.float32)
    W2 = glorot(k4, (D_HID, D_OUT))
    b2 = jnp.zeros((D_OUT,), dtype=jnp.float32)
    return {"x": x, "edge_index": edge_index, "W1": W1, "b1": b1, "W2": W2, "b2": b2}


def gcn_conv(x, src, dst, W, b, n_nodes):
    # GCNConv: D^{-1/2} (A + I) D^{-1/2} X W + b, with self-loops added
    deg = jnp.zeros((n_nodes,), dtype=x.dtype).at[dst].add(1.0)
    deg_inv_sqrt = jnp.where(deg > 0, jax.lax.rsqrt(jnp.maximum(deg, 1e-12)), 0.0)
    norm = deg_inv_sqrt[src] * deg_inv_sqrt[dst]
    h = x @ W
    msgs = h[src] * norm[:, None]
    out = jnp.zeros((n_nodes, W.shape[1]), dtype=x.dtype).at[dst].add(msgs)
    return out + b


def reference(x, edge_index, W1, b1, W2, b2):
    n_nodes = x.shape[0]
    loop = jnp.arange(n_nodes, dtype=edge_index.dtype)
    src = jnp.concatenate([edge_index[0], loop])
    dst = jnp.concatenate([edge_index[1], loop])
    h = gcn_conv(x, src, dst, W1, b1, n_nodes)
    h = jax.nn.relu(h)
    # F.dropout with training=self.training; reference runs in eval mode -> identity
    out = gcn_conv(h, src, dst, W2, b2, n_nodes)
    return out

if __name__ == "__main__":
    import jax
    _d = setup_inputs()
    print(jax.jit(kernel)(*tuple(_d.values())))

</pallas_src>

<mosaic_0001>
#map = affine_map<(d0, d1) -> (0, 0)>
#map1 = affine_map<(d0, d1) -> (0)>
module attributes {stable_mosaic.version = 14 : i64} {
  func.func @deg_kernel(%arg0: i32, %arg1: i32, %arg2: memref<2560x128xi32, #tpu.memory_space<hbm>>, %arg3: memref<10240xf32, #tpu.memory_space<hbm>>, %arg4: memref<32x10240xf32, #tpu.memory_space<hbm>>, %arg5: memref<80x128xi32, #tpu.memory_space<vmem>>, %arg6: memref<10240xf32, #tpu.memory_space<vmem>>) attributes {dimension_semantics = [#tpu.dimension_semantics<core_parallel>, #tpu.dimension_semantics<subcore_parallel>], iteration_bounds = array<i64: 2, 16>, scalar_prefetch = 0 : i64, scratch_operands = 2 : i64, tpu.core_type = #tpu.core_type<sc_vector_subcore>, window_params = [{transform_indices = #map}, {transform_indices = #map1}, {transform_indices = #map}]} {
    %mul3A = arith.constant 16 : i32
    %mul3A_0 = arith.muli %arg0, %mul3A : i32
    %add3A = arith.addi %mul3A_0, %arg1 : i32
    %mul3A_1 = arith.constant 80 : i32
    %mul3A_2 = arith.muli %add3A, %mul3A_1 : i32
    "tpu.region"() ({
      %run_scoped3A = tpu.sem_alloc : memref<!tpu.dma_semaphore, #tpu.memory_space<semaphore_mem>>
      %dma_start3A = arith.constant 0 : i32
      %dma_start3A_8 = tpu.memref_slice %arg2[%mul3A_2, %dma_start3A] : memref<2560x128xi32, #tpu.memory_space<hbm>> -> memref<80x128xi32, #tpu.memory_space<hbm>>
      %dma_start3A_9 = arith.constant 0 : i32
      %dma_start3A_10 = tpu.memref_slice %arg2[%mul3A_2, %dma_start3A_9] : memref<2560x128xi32, #tpu.memory_space<hbm>> -> memref<80x128xi32, #tpu.memory_space<hbm>>
      tpu.enqueue_dma source(%dma_start3A_10 : memref<80x128xi32, #tpu.memory_space<hbm>>) target(%arg5 : memref<80x128xi32, #tpu.memory_space<vmem>>) target_semaphore(%run_scoped3A : memref<!tpu.dma_semaphore, #tpu.memory_space<semaphore_mem>>)
      %dma_wait3A = arith.constant 0 : i32
      %dma_wait3A_11 = tpu.memref_slice %arg2[%mul3A_2, %dma_wait3A] : memref<2560x128xi32, #tpu.memory_space<hbm>> -> memref<80x128xi32, #tpu.memory_space<hbm>>
      %dma_wait3A_12 = arith.constant 0 : i32
      %dma_wait3A_13 = tpu.memref_slice %arg2[%mul3A_2, %dma_wait3A_12] : memref<2560x128xi32, #tpu.memory_space<hbm>> -> memref<80x128xi32, #tpu.memory_space<hbm>>
      tpu.wait_dma2 semaphore(%run_scoped3A : memref<!tpu.dma_semaphore, #tpu.memory_space<semaphore_mem>>) src(%dma_wait3A_13 : memref<80x128xi32, #tpu.memory_space<hbm>>) dst(%arg5 : memref<80x128xi32, #tpu.memory_space<vmem>>)
      tpu.yield
    }) : () -> ()
    "tpu.region"() ({
      %run_scoped3A = tpu.sem_alloc : memref<!tpu.dma_semaphore, #tpu.memory_space<semaphore_mem>>
      tpu.enqueue_dma source(%arg3 : memref<10240xf32, #tpu.memory_space<hbm>>) target(%arg6 : memref<10240xf32, #tpu.memory_space<vmem>>) target_semaphore(%run_scoped3A : memref<!tpu.dma_semaphore, #tpu.memory_space<semaphore_mem>>)
      tpu.wait_dma2 semaphore(%run_scoped3A : memref<!tpu.dma_semaphore, #tpu.memory_space<semaphore_mem>>) src(%arg3 : memref<10240xf32, #tpu.memory_space<hbm>>) dst(%arg6 : memref<10240xf32, #tpu.memory_space<vmem>>)
      tpu.yield
    }) : () -> ()
    %broadcast_in_dim3A = arith.constant 1.000000e+00 : f32
    %broadcast_in_dim3A_3 = vector.broadcast %broadcast_in_dim3A : f32 to vector<16xf32>
    %scan3A = arith.constant 0 : i32
    %scan3A_4 = arith.constant 80 : i32
    %scan3A_5 = arith.addi %scan3A, %scan3A_4 : i32
    %scan3A_6 = arith.constant 1 : i32
    scf.for %scan3A_8 = %scan3A to %scan3A_5 step %scan3A_6  : i32 {
      %mul3A_9 = arith.constant 1 : i32
      %mul3A_10 = arith.muli %scan3A_8, %mul3A_9 : i32
      %add3A_11 = arith.constant 0 : i32
      %add3A_12 = arith.addi %add3A_11, %mul3A_10 : i32
      %get3A = arith.index_cast %add3A_12 : i32 to index
      %get3A_13 = arith.constant 0 : index
      %get3A_14 = tpu.vector_load %arg5[%get3A, %get3A_13] {strides = array<i32>} : memref<80x128xi32, #tpu.memory_space<vmem>>, vector<16xi32>,
      tpu.vector_store_idx %arg6[%get3A_14], %broadcast_in_dim3A_3 {add = true} : memref<10240xf32, #tpu.memory_space<vmem>>[vector<16xi32>], vector<16xf32>,
      %get3A_15 = arith.index_cast %add3A_12 : i32 to index
      %get3A_16 = arith.constant 16 : index
      %get3A_17 = tpu.vector_load %arg5[%get3A_15, %get3A_16] {strides = array<i32>} : memref<80x128xi32, #tpu.memory_space<vmem>>, vector<16xi32>,
      tpu.vector_store_idx %arg6[%get3A_17], %broadcast_in_dim3A_3 {add = true} : memref<10240xf32, #tpu.memory_space<vmem>>[vector<16xi32>], vector<16xf32>,
      %get3A_18 = arith.index_cast %add3A_12 : i32 to index
      %get3A_19 = arith.constant 32 : index
      %get3A_20 = tpu.vector_load %arg5[%get3A_18, %get3A_19] {strides = array<i32>} : memref<80x128xi32, #tpu.memory_space<vmem>>, vector<16xi32>,
      tpu.vector_store_idx %arg6[%get3A_20], %broadcast_in_dim3A_3 {add = true} : memref<10240xf32, #tpu.memory_space<vmem>>[vector<16xi32>], vector<16xf32>,
      %get3A_21 = arith.index_cast %add3A_12 : i32 to index
      %get3A_22 = arith.constant 48 : index
      %get3A_23 = tpu.vector_load %arg5[%get3A_21, %get3A_22] {strides = array<i32>} : memref<80x128xi32, #tpu.memory_space<vmem>>, vector<16xi32>,
      tpu.vector_store_idx %arg6[%get3A_23], %broadcast_in_dim3A_3 {add = true} : memref<10240xf32, #tpu.memory_space<vmem>>[vector<16xi32>], vector<16xf32>,
      %get3A_24 = arith.index_cast %add3A_12 : i32 to index
      %get3A_25 = arith.constant 64 : index
      %get3A_26 = tpu.vector_load %arg5[%get3A_24, %get3A_25] {strides = array<i32>} : memref<80x128xi32, #tpu.memory_space<vmem>>, vector<16xi32>,
      tpu.vector_store_idx %arg6[%get3A_26], %broadcast_in_dim3A_3 {add = true} : memref<10240xf32, #tpu.memory_space<vmem>>[vector<16xi32>], vector<16xf32>,
      %get3A_27 = arith.index_cast %add3A_12 : i32 to index
      %get3A_28 = arith.constant 80 : index
      %get3A_29 = tpu.vector_load %arg5[%get3A_27, %get3A_28] {strides = array<i32>} : memref<80x128xi32, #tpu.memory_space<vmem>>, vector<16xi32>,
      tpu.vector_store_idx %arg6[%get3A_29], %broadcast_in_dim3A_3 {add = true} : memref<10240xf32, #tpu.memory_space<vmem>>[vector<16xi32>], vector<16xf32>,
      %get3A_30 = arith.index_cast %add3A_12 : i32 to index
      %get3A_31 = arith.constant 96 : index
      %get3A_32 = tpu.vector_load %arg5[%get3A_30, %get3A_31] {strides = array<i32>} : memref<80x128xi32, #tpu.memory_space<vmem>>, vector<16xi32>,
      tpu.vector_store_idx %arg6[%get3A_32], %broadcast_in_dim3A_3 {add = true} : memref<10240xf32, #tpu.memory_space<vmem>>[vector<16xi32>], vector<16xf32>,
      %get3A_33 = arith.index_cast %add3A_12 : i32 to index
      %get3A_34 = arith.constant 112 : index
      %get3A_35 = tpu.vector_load %arg5[%get3A_33, %get3A_34] {strides = array<i32>} : memref<80x128xi32, #tpu.memory_space<vmem>>, vector<16xi32>,
      tpu.vector_store_idx %arg6[%get3A_35], %broadcast_in_dim3A_3 {add = true} : memref<10240xf32, #tpu.memory_space<vmem>>[vector<16xi32>], vector<16xf32>,
    }
    %scan3A_7 = arith.constant 80 : i32
    "tpu.region"() ({
      %run_scoped3A = tpu.sem_alloc : memref<!tpu.dma_semaphore, #tpu.memory_space<semaphore_mem>>
      %dma_start3A = arith.constant 0 : i32
      %dma_start3A_8 = tpu.memref_slice %arg4[%add3A, %dma_start3A] : memref<32x10240xf32, #tpu.memory_space<hbm>> -> memref<1x10240xf32, #tpu.memory_space<hbm>>
      %dma_start3A_9 = tpu.memref_squeeze %dma_start3A_8 : memref<1x10240xf32, #tpu.memory_space<hbm>> -> memref<10240xf32, #tpu.memory_space<hbm>>
      %dma_start3A_10 = arith.constant 0 : i32
      %dma_start3A_11 = tpu.memref_slice %arg4[%add3A, %dma_start3A_10] : memref<32x10240xf32, #tpu.memory_space<hbm>> -> memref<1x10240xf32, #tpu.memory_space<hbm>>
      %dma_start3A_12 = tpu.memref_squeeze %dma_start3A_11 : memref<1x10240xf32, #tpu.memory_space<hbm>> -> memref<10240xf32, #tpu.memory_space<hbm>>
      tpu.enqueue_dma source(%arg6 : memref<10240xf32, #tpu.memory_space<vmem>>) target(%dma_start3A_12 : memref<10240xf32, #tpu.memory_space<hbm>>) target_semaphore(%run_scoped3A : memref<!tpu.dma_semaphore, #tpu.memory_space<semaphore_mem>>)
      %dma_wait3A = arith.constant 0 : i32
      %dma_wait3A_13 = tpu.memref_slice %arg4[%add3A, %dma_wait3A] : memref<32x10240xf32, #tpu.memory_space<hbm>> -> memref<1x10240xf32, #tpu.memory_space<hbm>>
      %dma_wait3A_14 = tpu.memref_squeeze %dma_wait3A_13 : memref<1x10240xf32, #tpu.memory_space<hbm>> -> memref<10240xf32, #tpu.memory_space<hbm>>
      %dma_wait3A_15 = arith.constant 0 : i32
      %dma_wait3A_16 = tpu.memref_slice %arg4[%add3A, %dma_wait3A_15] : memref<32x10240xf32, #tpu.memory_space<hbm>> -> memref<1x10240xf32, #tpu.memory_space<hbm>>
      %dma_wait3A_17 = tpu.memref_squeeze %dma_wait3A_16 : memref<1x10240xf32, #tpu.memory_space<hbm>> -> memref<10240xf32, #tpu.memory_space<hbm>>
      tpu.wait_dma2 semaphore(%run_scoped3A : memref<!tpu.dma_semaphore, #tpu.memory_space<semaphore_mem>>) src(%arg6 : memref<10240xf32, #tpu.memory_space<vmem>>) dst(%dma_wait3A_17 : memref<10240xf32, #tpu.memory_space<hbm>>)
      tpu.yield
    }) : () -> ()
    return
  }
}

#map = affine_map<(d0, d1) -> (0, 0)>
#map1 = affine_map<(d0, d1) -> (0, 0, 0)>
module attributes {stable_mosaic.version = 14 : i64} {
  func.func @agg_kernel(%arg0: i32, %arg1: i32, %arg2: memref<10240x64xf32, #tpu.memory_space<hbm>>, %arg3: memref<640x512xi32, #tpu.memory_space<hbm>>, %arg4: memref<640x512xi32, #tpu.memory_space<hbm>>, %arg5: memref<10240x64xf32, #tpu.memory_space<hbm>>, %arg6: memref<2x10240x64xf32, #tpu.memory_space<hbm>>, %arg7: memref<20x512xi32, #tpu.memory_space<vmem>>, %arg8: memref<20x512xi32, #tpu.memory_space<vmem>>, %arg9: memref<512x64xf32, #tpu.memory_space<vmem>>, %arg10: memref<10240x64xf32, #tpu.memory_space<vmem_shared>>, %arg11: memref<!tpu.dma_semaphore, #tpu.memory_space<semaphore_mem>>) attributes {dimension_semantics = [#tpu.dimension_semantics<core_parallel>, #tpu.dimension_semantics<subcore_parallel>], iteration_bounds = array<i64: 2, 16>, scalar_prefetch = 0 : i64, scratch_operands = 5 : i64, tpu.core_type = #tpu.core_type<sc_vector_subcore>, window_params = [{transform_indices = #map}, {transform_indices = #map}, {transform_indices = #map}, {transform_indices = #map}, {transform_indices = #map1}]} {
    %mul3A = arith.constant 16 : i32
    %mul3A_0 = arith.muli %arg0, %mul3A : i32
    %add3A = arith.addi %mul3A_0, %arg1 : i32
    %mul3A_1 = arith.constant 20 : i32
    %mul3A_2 = arith.muli %add3A, %mul3A_1 : i32
    "tpu.region"() ({
      %run_scoped3A = tpu.sem_alloc : memref<!tpu.dma_semaphore, #tpu.memory_space<semaphore_mem>>
      %dma_start3A = arith.constant 0 : i32
      %dma_start3A_18 = tpu.memref_slice %arg3[%mul3A_2, %dma_start3A] : memref<640x512xi32, #tpu.memory_space<hbm>> -> memref<20x512xi32, #tpu.memory_space<hbm>>
      %dma_start3A_19 = arith.constant 0 : i32
      %dma_start3A_20 = tpu.memref_slice %arg3[%mul3A_2, %dma_start3A_19] : memref<640x512xi32, #tpu.memory_space<hbm>> -> memref<20x512xi32, #tpu.memory_space<hbm>>
      tpu.enqueue_dma source(%dma_start3A_20 : memref<20x512xi32, #tpu.memory_space<hbm>>) target(%arg7 : memref<20x512xi32, #tpu.memory_space<vmem>>) target_semaphore(%run_scoped3A : memref<!tpu.dma_semaphore, #tpu.memory_space<semaphore_mem>>)
      %dma_wait3A = arith.constant 0 : i32
      %dma_wait3A_21 = tpu.memref_slice %arg3[%mul3A_2, %dma_wait3A] : memref<640x512xi32, #tpu.memory_space<hbm>> -> memref<20x512xi32, #tpu.memory_space<hbm>>
      %dma_wait3A_22 = arith.constant 0 : i32
      %dma_wait3A_23 = tpu.memref_slice %arg3[%mul3A_2, %dma_wait3A_22] : memref<640x512xi32, #tpu.memory_space<hbm>> -> memref<20x512xi32, #tpu.memory_space<hbm>>
      tpu.wait_dma2 semaphore(%run_scoped3A : memref<!tpu.dma_semaphore, #tpu.memory_space<semaphore_mem>>) src(%dma_wait3A_23 : memref<20x512xi32, #tpu.memory_space<hbm>>) dst(%arg7 : memref<20x512xi32, #tpu.memory_space<vmem>>)
      tpu.yield
    }) : () -> ()
    %mul3A_3 = arith.constant 20 : i32
    %mul3A_4 = arith.muli %add3A, %mul3A_3 : i32
    "tpu.region"() ({
      %run_scoped3A = tpu.sem_alloc : memref<!tpu.dma_semaphore, #tpu.memory_space<semaphore_mem>>
      %dma_start3A = arith.constant 0 : i32
      %dma_start3A_18 = tpu.memref_slice %arg4[%mul3A_4, %dma_start3A] : memref<640x512xi32, #tpu.memory_space<hbm>> -> memref<20x512xi32, #tpu.memory_space<hbm>>
      %dma_start3A_19 = arith.constant 0 : i32
      %dma_start3A_20 = tpu.memref_slice %arg4[%mul3A_4, %dma_start3A_19] : memref<640x512xi32, #tpu.memory_space<hbm>> -> memref<20x512xi32, #tpu.memory_space<hbm>>
      tpu.enqueue_dma source(%dma_start3A_20 : memref<20x512xi32, #tpu.memory_space<hbm>>) target(%arg8 : memref<20x512xi32, #tpu.memory_space<vmem>>) target_semaphore(%run_scoped3A : memref<!tpu.dma_semaphore, #tpu.memory_space<semaphore_mem>>)
      %dma_wait3A = arith.constant 0 : i32
      %dma_wait3A_21 = tpu.memref_slice %arg4[%mul3A_4, %dma_wait3A] : memref<640x512xi32, #tpu.memory_space<hbm>> -> memref<20x512xi32, #tpu.memory_space<hbm>>
      %dma_wait3A_22 = arith.constant 0 : i32
      %dma_wait3A_23 = tpu.memref_slice %arg4[%mul3A_4, %dma_wait3A_22] : memref<640x512xi32, #tpu.memory_space<hbm>> -> memref<20x512xi32, #tpu.memory_space<hbm>>
      tpu.wait_dma2 semaphore(%run_scoped3A : memref<!tpu.dma_semaphore, #tpu.memory_space<semaphore_mem>>) src(%dma_wait3A_23 : memref<20x512xi32, #tpu.memory_space<hbm>>) dst(%arg8 : memref<20x512xi32, #tpu.memory_space<vmem>>)
      tpu.yield
    }) : () -> ()
    %mul3A_5 = arith.constant 640 : i32
    %mul3A_6 = arith.muli %arg1, %mul3A_5 : i32
    %mul3A_7 = arith.constant 640 : i32
    %mul3A_8 = arith.muli %arg1, %mul3A_7 : i32
    "tpu.region"() ({
      %run_scoped3A = tpu.sem_alloc : memref<!tpu.dma_semaphore, #tpu.memory_space<semaphore_mem>>
      %dma_start3A = arith.constant 0 : i32
      %dma_start3A_18 = tpu.memref_slice %arg10[%mul3A_8, %dma_start3A] : memref<10240x64xf32, #tpu.memory_space<vmem_shared>> -> memref<640x64xf32, #tpu.memory_space<vmem_shared>>
      %dma_start3A_19 = arith.constant 0 : i32
      %dma_start3A_20 = tpu.memref_slice %arg5[%mul3A_6, %dma_start3A_19] : memref<10240x64xf32, #tpu.memory_space<hbm>> -> memref<640x64xf32, #tpu.memory_space<hbm>>
      tpu.enqueue_dma source(%dma_start3A_20 : memref<640x64xf32, #tpu.memory_space<hbm>>) target(%dma_start3A_18 : memref<640x64xf32, #tpu.memory_space<vmem_shared>>) target_semaphore(%run_scoped3A : memref<!tpu.dma_semaphore, #tpu.memory_space<semaphore_mem>>)
      %dma_wait3A = arith.constant 0 : i32
      %dma_wait3A_21 = tpu.memref_slice %arg10[%mul3A_8, %dma_wait3A] : memref<10240x64xf32, #tpu.memory_space<vmem_shared>> -> memref<640x64xf32, #tpu.memory_space<vmem_shared>>
      %dma_wait3A_22 = arith.constant 0 : i32
      %dma_wait3A_23 = tpu.memref_slice %arg5[%mul3A_6, %dma_wait3A_22] : memref<10240x64xf32, #tpu.memory_space<hbm>> -> memref<640x64xf32, #tpu.memory_space<hbm>>
      tpu.wait_dma2 semaphore(%run_scoped3A : memref<!tpu.dma_semaphore, #tpu.memory_space<semaphore_mem>>) src(%dma_wait3A_23 : memref<640x64xf32, #tpu.memory_space<hbm>>) dst(%dma_wait3A_21 : memref<640x64xf32, #tpu.memory_space<vmem_shared>>)
      tpu.yield
    }) : () -> ()
    %barrier3A = arith.constant 0 : index
    tpu.barrier barrier_id(%barrier3A)
    %scan3A = arith.constant 0 : i32
    %scan3A_9 = arith.constant 20 : i32
    %scan3A_10 = arith.addi %scan3A, %scan3A_9 : i32
    %scan3A_11 = arith.constant 1 : i32
    scf.for %scan3A_18 = %scan3A to %scan3A_10 step %scan3A_11  : i32 {
      %mul3A_19 = arith.constant 1 : i32
      %mul3A_20 = arith.muli %scan3A_18, %mul3A_19 : i32
      %add3A_21 = arith.constant 0 : i32
      %add3A_22 = arith.addi %add3A_21, %mul3A_20 : i32
      %dma_start3A = arith.constant 0 : i32
      %dma_start3A_23 = tpu.memref_slice %arg7[%add3A_22, %dma_start3A] : memref<20x512xi32, #tpu.memory_space<vmem>> -> memref<1x512xi32, #tpu.memory_space<vmem>>
      %dma_start3A_24 = tpu.memref_squeeze %dma_start3A_23 : memref<1x512xi32, #tpu.memory_space<vmem>> -> memref<512xi32, #tpu.memory_space<vmem>>
      %dma_start3A_25 = arith.constant 0 : i32
      %dma_start3A_26 = arith.constant 0 : i32
      %dma_start3A_27 = tpu.memref_slice %arg2[%dma_start3A_25, %dma_start3A_26] : memref<10240x64xf32, #tpu.memory_space<hbm>> -> memref<10240x64xf32, #tpu.memory_space<hbm>>
      tpu.enqueue_indirect_dma source(%dma_start3A_27 : memref<10240x64xf32, #tpu.memory_space<hbm>>) target(%arg9 : memref<512x64xf32, #tpu.memory_space<vmem>>) offsets(%dma_start3A_24 : memref<512xi32, #tpu.memory_space<vmem>>) semaphore(%arg11 : memref<!tpu.dma_semaphore, #tpu.memory_space<semaphore_mem>>)
      %dma_wait3A = arith.constant 0 : i32
      %dma_wait3A_28 = tpu.memref_slice %arg7[%add3A_22, %dma_wait3A] : memref<20x512xi32, #tpu.memory_space<vmem>> -> memref<1x512xi32, #tpu.memory_space<vmem>>
      %dma_wait3A_29 = tpu.memref_squeeze %dma_wait3A_28 : memref<1x512xi32, #tpu.memory_space<vmem>> -> memref<512xi32, #tpu.memory_space<vmem>>
      %dma_wait3A_30 = arith.constant 0 : i32
      %dma_wait3A_31 = arith.constant 0 : i32
      %dma_wait3A_32 = tpu.memref_slice %arg2[%dma_wait3A_30, %dma_wait3A_31] : memref<10240x64xf32, #tpu.memory_space<hbm>> -> memref<10240x64xf32, #tpu.memory_space<hbm>>
      tpu.wait_indirect_dma semaphore(%arg11 : memref<!tpu.dma_semaphore, #tpu.memory_space<semaphore_mem>>) src(%dma_wait3A_32 : memref<10240x64xf32, #tpu.memory_space<hbm>>) dst(%arg9 : memref<512x64xf32, #tpu.memory_space<vmem>>)
      "tpu.region"() ({
        %run_scoped3A = tpu.sem_alloc : memref<!tpu.dma_semaphore, #tpu.memory_space<semaphore_mem>>
        %dma_start3A_33 = arith.constant 0 : i32
        %dma_start3A_34 = tpu.memref_slice %arg8[%add3A_22, %dma_start3A_33] : memref<20x512xi32, #tpu.memory_space<vmem>> -> memref<1x512xi32, #tpu.memory_space<vmem>>
        %dma_start3A_35 = tpu.memref_squeeze %dma_start3A_34 : memref<1x512xi32, #tpu.memory_space<vmem>> -> memref<512xi32, #tpu.memory_space<vmem>>
        %dma_start3A_36 = arith.constant 0 : i32
        %dma_start3A_37 = arith.constant 0 : i32
        %dma_start3A_38 = tpu.memref_slice %arg10[%dma_start3A_36, %dma_start3A_37] : memref<10240x64xf32, #tpu.memory_space<vmem_shared>> -> memref<10240x64xf32, #tpu.memory_space<vmem_shared>>
        tpu.enqueue_indirect_dma source(%arg9 : memref<512x64xf32, #tpu.memory_space<vmem>>) target(%dma_start3A_38 : memref<10240x64xf32, #tpu.memory_space<vmem_shared>>) offsets(%dma_start3A_35 : memref<512xi32, #tpu.memory_space<vmem>>) semaphore(%run_scoped3A : memref<!tpu.dma_semaphore, #tpu.memory_space<semaphore_mem>>) {add = true}
        %dma_wait3A_39 = arith.constant 0 : i32
        %dma_wait3A_40 = tpu.memref_slice %arg8[%add3A_22, %dma_wait3A_39] : memref<20x512xi32, #tpu.memory_space<vmem>> -> memref<1x512xi32, #tpu.memory_space<vmem>>
        %dma_wait3A_41 = tpu.memref_squeeze %dma_wait3A_40 : memref<1x512xi32, #tpu.memory_space<vmem>> -> memref<512xi32, #tpu.memory_space<vmem>>
        %dma_wait3A_42 = arith.constant 0 : i32
        %dma_wait3A_43 = arith.constant 0 : i32
        %dma_wait3A_44 = tpu.memref_slice %arg10[%dma_wait3A_42, %dma_wait3A_43] : memref<10240x64xf32, #tpu.memory_space<vmem_shared>> -> memref<10240x64xf32, #tpu.memory_space<vmem_shared>>
        tpu.wait_indirect_dma semaphore(%run_scoped3A : memref<!tpu.dma_semaphore, #tpu.memory_space<semaphore_mem>>) src(%arg9 : memref<512x64xf32, #tpu.memory_space<vmem>>) dst(%dma_wait3A_44 : memref<10240x64xf32, #tpu.memory_space<vmem_shared>>)
        tpu.yield
      }) : () -> ()
    }
    %scan3A_12 = arith.constant 20 : i32
    %barrier3A_13 = arith.constant 0 : index
    tpu.barrier barrier_id(%barrier3A_13)
    %mul3A_14 = arith.constant 640 : i32
    %mul3A_15 = arith.muli %arg1, %mul3A_14 : i32
    %mul3A_16 = arith.constant 640 : i32
    %mul3A_17 = arith.muli %arg1, %mul3A_16 : i32
    "tpu.region"() ({
      %run_scoped3A = tpu.sem_alloc : memref<!tpu.dma_semaphore, #tpu.memory_space<semaphore_mem>>
      %dma_start3A = arith.constant 0 : i32
      %dma_start3A_18 = arith.constant 0 : i32
      %dma_start3A_19 = tpu.memref_slice %arg6[%arg0, %dma_start3A, %dma_start3A_18] : memref<2x10240x64xf32, #tpu.memory_space<hbm>> -> memref<1x10240x64xf32, #tpu.memory_space<hbm>>
      %dma_start3A_20 = tpu.memref_squeeze %dma_start3A_19 : memref<1x10240x64xf32, #tpu.memory_space<hbm>> -> memref<10240x64xf32, #tpu.memory_space<hbm>>
      %dma_start3A_21 = arith.constant 0 : i32
      %dma_start3A_22 = tpu.memref_slice %dma_start3A_20[%mul3A_17, %dma_start3A_21] : memref<10240x64xf32, #tpu.memory_space<hbm>> -> memref<640x64xf32, #tpu.memory_space<hbm>>
      %dma_start3A_23 = arith.constant 0 : i32
      %dma_start3A_24 = tpu.memref_slice %arg10[%mul3A_15, %dma_start3A_23] : memref<10240x64xf32, #tpu.memory_space<vmem_shared>> -> memref<640x64xf32, #tpu.memory_space<vmem_shared>>
      tpu.enqueue_dma source(%dma_start3A_24 : memref<640x64xf32, #tpu.memory_space<vmem_shared>>) target(%dma_start3A_22 : memref<640x64xf32, #tpu.memory_space<hbm>>) target_semaphore(%run_scoped3A : memref<!tpu.dma_semaphore, #tpu.memory_space<semaphore_mem>>)
      %dma_wait3A = arith.constant 0 : i32
      %dma_wait3A_25 = arith.constant 0 : i32
      %dma_wait3A_26 = tpu.memref_slice %arg6[%arg0, %dma_wait3A, %dma_wait3A_25] : memref<2x10240x64xf32, #tpu.memory_space<hbm>> -> memref<1x10240x64xf32, #tpu.memory_space<hbm>>
      %dma_wait3A_27 = tpu.memref_squeeze %dma_wait3A_26 : memref<1x10240x64xf32, #tpu.memory_space<hbm>> -> memref<10240x64xf32, #tpu.memory_space<hbm>>
      %dma_wait3A_28 = arith.constant 0 : i32
      %dma_wait3A_29 = tpu.memref_slice %dma_wait3A_27[%mul3A_17, %dma_wait3A_28] : memref<10240x64xf32, #tpu.memory_space<hbm>> -> memref<640x64xf32, #tpu.memory_space<hbm>>
      %dma_wait3A_30 = arith.constant 0 : i32
      %dma_wait3A_31 = tpu.memref_slice %arg10[%mul3A_15, %dma_wait3A_30] : memref<10240x64xf32, #tpu.memory_space<vmem_shared>> -> memref<640x64xf32, #tpu.memory_space<vmem_shared>>
      tpu.wait_dma2 semaphore(%run_scoped3A : memref<!tpu.dma_semaphore, #tpu.memory_space<semaphore_mem>>) src(%dma_wait3A_31 : memref<640x64xf32, #tpu.memory_space<vmem_shared>>) dst(%dma_wait3A_29 : memref<640x64xf32, #tpu.memory_space<hbm>>)
      tpu.yield
    }) : () -> ()
    return
  }
}

#map = affine_map<(d0, d1) -> (0, 0)>
#map1 = affine_map<(d0, d1) -> (0, 0, 0)>
module attributes {stable_mosaic.version = 14 : i64} {
  func.func @agg_kernel(%arg0: i32, %arg1: i32, %arg2: memref<10240x16xf32, #tpu.memory_space<hbm>>, %arg3: memref<640x512xi32, #tpu.memory_space<hbm>>, %arg4: memref<640x512xi32, #tpu.memory_space<hbm>>, %arg5: memref<10240x16xf32, #tpu.memory_space<hbm>>, %arg6: memref<2x10240x16xf32, #tpu.memory_space<hbm>>, %arg7: memref<20x512xi32, #tpu.memory_space<vmem>>, %arg8: memref<20x512xi32, #tpu.memory_space<vmem>>, %arg9: memref<512x16xf32, #tpu.memory_space<vmem>>, %arg10: memref<10240x16xf32, #tpu.memory_space<vmem_shared>>, %arg11: memref<!tpu.dma_semaphore, #tpu.memory_space<semaphore_mem>>) attributes {dimension_semantics = [#tpu.dimension_semantics<core_parallel>, #tpu.dimension_semantics<subcore_parallel>], iteration_bounds = array<i64: 2, 16>, scalar_prefetch = 0 : i64, scratch_operands = 5 : i64, tpu.core_type = #tpu.core_type<sc_vector_subcore>, window_params = [{transform_indices = #map}, {transform_indices = #map}, {transform_indices = #map}, {transform_indices = #map}, {transform_indices = #map1}]} {
    %mul3A = arith.constant 16 : i32
    %mul3A_0 = arith.muli %arg0, %mul3A : i32
    %add3A = arith.addi %mul3A_0, %arg1 : i32
    %mul3A_1 = arith.constant 20 : i32
    %mul3A_2 = arith.muli %add3A, %mul3A_1 : i32
    "tpu.region"() ({
      %run_scoped3A = tpu.sem_alloc : memref<!tpu.dma_semaphore, #tpu.memory_space<semaphore_mem>>
      %dma_start3A = arith.constant 0 : i32
      %dma_start3A_18 = tpu.memref_slice %arg3[%mul3A_2, %dma_start3A] : memref<640x512xi32, #tpu.memory_space<hbm>> -> memref<20x512xi32, #tpu.memory_space<hbm>>
      %dma_start3A_19 = arith.constant 0 : i32
      %dma_start3A_20 = tpu.memref_slice %arg3[%mul3A_2, %dma_start3A_19] : memref<640x512xi32, #tpu.memory_space<hbm>> -> memref<20x512xi32, #tpu.memory_space<hbm>>
      tpu.enqueue_dma source(%dma_start3A_20 : memref<20x512xi32, #tpu.memory_space<hbm>>) target(%arg7 : memref<20x512xi32, #tpu.memory_space<vmem>>) target_semaphore(%run_scoped3A : memref<!tpu.dma_semaphore, #tpu.memory_space<semaphore_mem>>)
      %dma_wait3A = arith.constant 0 : i32
      %dma_wait3A_21 = tpu.memref_slice %arg3[%mul3A_2, %dma_wait3A] : memref<640x512xi32, #tpu.memory_space<hbm>> -> memref<20x512xi32, #tpu.memory_space<hbm>>
      %dma_wait3A_22 = arith.constant 0 : i32
      %dma_wait3A_23 = tpu.memref_slice %arg3[%mul3A_2, %dma_wait3A_22] : memref<640x512xi32, #tpu.memory_space<hbm>> -> memref<20x512xi32, #tpu.memory_space<hbm>>
      tpu.wait_dma2 semaphore(%run_scoped3A : memref<!tpu.dma_semaphore, #tpu.memory_space<semaphore_mem>>) src(%dma_wait3A_23 : memref<20x512xi32, #tpu.memory_space<hbm>>) dst(%arg7 : memref<20x512xi32, #tpu.memory_space<vmem>>)
      tpu.yield
    }) : () -> ()
    %mul3A_3 = arith.constant 20 : i32
    %mul3A_4 = arith.muli %add3A, %mul3A_3 : i32
    "tpu.region"() ({
      %run_scoped3A = tpu.sem_alloc : memref<!tpu.dma_semaphore, #tpu.memory_space<semaphore_mem>>
      %dma_start3A = arith.constant 0 : i32
      %dma_start3A_18 = tpu.memref_slice %arg4[%mul3A_4, %dma_start3A] : memref<640x512xi32, #tpu.memory_space<hbm>> -> memref<20x512xi32, #tpu.memory_space<hbm>>
      %dma_start3A_19 = arith.constant 0 : i32
      %dma_start3A_20 = tpu.memref_slice %arg4[%mul3A_4, %dma_start3A_19] : memref<640x512xi32, #tpu.memory_space<hbm>> -> memref<20x512xi32, #tpu.memory_space<hbm>>
      tpu.enqueue_dma source(%dma_start3A_20 : memref<20x512xi32, #tpu.memory_space<hbm>>) target(%arg8 : memref<20x512xi32, #tpu.memory_space<vmem>>) target_semaphore(%run_scoped3A : memref<!tpu.dma_semaphore, #tpu.memory_space<semaphore_mem>>)
      %dma_wait3A = arith.constant 0 : i32
      %dma_wait3A_21 = tpu.memref_slice %arg4[%mul3A_4, %dma_wait3A] : memref<640x512xi32, #tpu.memory_space<hbm>> -> memref<20x512xi32, #tpu.memory_space<hbm>>
      %dma_wait3A_22 = arith.constant 0 : i32
      %dma_wait3A_23 = tpu.memref_slice %arg4[%mul3A_4, %dma_wait3A_22] : memref<640x512xi32, #tpu.memory_space<hbm>> -> memref<20x512xi32, #tpu.memory_space<hbm>>
      tpu.wait_dma2 semaphore(%run_scoped3A : memref<!tpu.dma_semaphore, #tpu.memory_space<semaphore_mem>>) src(%dma_wait3A_23 : memref<20x512xi32, #tpu.memory_space<hbm>>) dst(%arg8 : memref<20x512xi32, #tpu.memory_space<vmem>>)
      tpu.yield
    }) : () -> ()
    %mul3A_5 = arith.constant 640 : i32
    %mul3A_6 = arith.muli %arg1, %mul3A_5 : i32
    %mul3A_7 = arith.constant 640 : i32
    %mul3A_8 = arith.muli %arg1, %mul3A_7 : i32
    "tpu.region"() ({
      %run_scoped3A = tpu.sem_alloc : memref<!tpu.dma_semaphore, #tpu.memory_space<semaphore_mem>>
      %dma_start3A = arith.constant 0 : i32
      %dma_start3A_18 = tpu.memref_slice %arg10[%mul3A_8, %dma_start3A] : memref<10240x16xf32, #tpu.memory_space<vmem_shared>> -> memref<640x16xf32, #tpu.memory_space<vmem_shared>>
      %dma_start3A_19 = arith.constant 0 : i32
      %dma_start3A_20 = tpu.memref_slice %arg5[%mul3A_6, %dma_start3A_19] : memref<10240x16xf32, #tpu.memory_space<hbm>> -> memref<640x16xf32, #tpu.memory_space<hbm>>
      tpu.enqueue_dma source(%dma_start3A_20 : memref<640x16xf32, #tpu.memory_space<hbm>>) target(%dma_start3A_18 : memref<640x16xf32, #tpu.memory_space<vmem_shared>>) target_semaphore(%run_scoped3A : memref<!tpu.dma_semaphore, #tpu.memory_space<semaphore_mem>>)
      %dma_wait3A = arith.constant 0 : i32
      %dma_wait3A_21 = tpu.memref_slice %arg10[%mul3A_8, %dma_wait3A] : memref<10240x16xf32, #tpu.memory_space<vmem_shared>> -> memref<640x16xf32, #tpu.memory_space<vmem_shared>>
      %dma_wait3A_22 = arith.constant 0 : i32
      %dma_wait3A_23 = tpu.memref_slice %arg5[%mul3A_6, %dma_wait3A_22] : memref<10240x16xf32, #tpu.memory_space<hbm>> -> memref<640x16xf32, #tpu.memory_space<hbm>>
      tpu.wait_dma2 semaphore(%run_scoped3A : memref<!tpu.dma_semaphore, #tpu.memory_space<semaphore_mem>>) src(%dma_wait3A_23 : memref<640x16xf32, #tpu.memory_space<hbm>>) dst(%dma_wait3A_21 : memref<640x16xf32, #tpu.memory_space<vmem_shared>>)
      tpu.yield
    }) : () -> ()
    %barrier3A = arith.constant 0 : index
    tpu.barrier barrier_id(%barrier3A)
    %scan3A = arith.constant 0 : i32
    %scan3A_9 = arith.constant 20 : i32
    %scan3A_10 = arith.addi %scan3A, %scan3A_9 : i32
    %scan3A_11 = arith.constant 1 : i32
    scf.for %scan3A_18 = %scan3A to %scan3A_10 step %scan3A_11  : i32 {
      %mul3A_19 = arith.constant 1 : i32
      %mul3A_20 = arith.muli %scan3A_18, %mul3A_19 : i32
      %add3A_21 = arith.constant 0 : i32
      %add3A_22 = arith.addi %add3A_21, %mul3A_20 : i32
      %dma_start3A = arith.constant 0 : i32
      %dma_start3A_23 = tpu.memref_slice %arg7[%add3A_22, %dma_start3A] : memref<20x512xi32, #tpu.memory_space<vmem>> -> memref<1x512xi32, #tpu.memory_space<vmem>>
      %dma_start3A_24 = tpu.memref_squeeze %dma_start3A_23 : memref<1x512xi32, #tpu.memory_space<vmem>> -> memref<512xi32, #tpu.memory_space<vmem>>
      %dma_start3A_25 = arith.constant 0 : i32
      %dma_start3A_26 = arith.constant 0 : i32
      %dma_start3A_27 = tpu.memref_slice %arg2[%dma_start3A_25, %dma_start3A_26] : memref<10240x16xf32, #tpu.memory_space<hbm>> -> memref<10240x16xf32, #tpu.memory_space<hbm>>
      tpu.enqueue_indirect_dma source(%dma_start3A_27 : memref<10240x16xf32, #tpu.memory_space<hbm>>) target(%arg9 : memref<512x16xf32, #tpu.memory_space<vmem>>) offsets(%dma_start3A_24 : memref<512xi32, #tpu.memory_space<vmem>>) semaphore(%arg11 : memref<!tpu.dma_semaphore, #tpu.memory_space<semaphore_mem>>)
      %dma_wait3A = arith.constant 0 : i32
      %dma_wait3A_28 = tpu.memref_slice %arg7[%add3A_22, %dma_wait3A] : memref<20x512xi32, #tpu.memory_space<vmem>> -> memref<1x512xi32, #tpu.memory_space<vmem>>
      %dma_wait3A_29 = tpu.memref_squeeze %dma_wait3A_28 : memref<1x512xi32, #tpu.memory_space<vmem>> -> memref<512xi32, #tpu.memory_space<vmem>>
      %dma_wait3A_30 = arith.constant 0 : i32
      %dma_wait3A_31 = arith.constant 0 : i32
      %dma_wait3A_32 = tpu.memref_slice %arg2[%dma_wait3A_30, %dma_wait3A_31] : memref<10240x16xf32, #tpu.memory_space<hbm>> -> memref<10240x16xf32, #tpu.memory_space<hbm>>
      tpu.wait_indirect_dma semaphore(%arg11 : memref<!tpu.dma_semaphore, #tpu.memory_space<semaphore_mem>>) src(%dma_wait3A_32 : memref<10240x16xf32, #tpu.memory_space<hbm>>) dst(%arg9 : memref<512x16xf32, #tpu.memory_space<vmem>>)
      "tpu.region"() ({
        %run_scoped3A = tpu.sem_alloc : memref<!tpu.dma_semaphore, #tpu.memory_space<semaphore_mem>>
        %dma_start3A_33 = arith.constant 0 : i32
        %dma_start3A_34 = tpu.memref_slice %arg8[%add3A_22, %dma_start3A_33] : memref<20x512xi32, #tpu.memory_space<vmem>> -> memref<1x512xi32, #tpu.memory_space<vmem>>
        %dma_start3A_35 = tpu.memref_squeeze %dma_start3A_34 : memref<1x512xi32, #tpu.memory_space<vmem>> -> memref<512xi32, #tpu.memory_space<vmem>>
        %dma_start3A_36 = arith.constant 0 : i32
        %dma_start3A_37 = arith.constant 0 : i32
        %dma_start3A_38 = tpu.memref_slice %arg10[%dma_start3A_36, %dma_start3A_37] : memref<10240x16xf32, #tpu.memory_space<vmem_shared>> -> memref<10240x16xf32, #tpu.memory_space<vmem_shared>>
        tpu.enqueue_indirect_dma source(%arg9 : memref<512x16xf32, #tpu.memory_space<vmem>>) target(%dma_start3A_38 : memref<10240x16xf32, #tpu.memory_space<vmem_shared>>) offsets(%dma_start3A_35 : memref<512xi32, #tpu.memory_space<vmem>>) semaphore(%run_scoped3A : memref<!tpu.dma_semaphore, #tpu.memory_space<semaphore_mem>>) {add = true}
        %dma_wait3A_39 = arith.constant 0 : i32
        %dma_wait3A_40 = tpu.memref_slice %arg8[%add3A_22, %dma_wait3A_39] : memref<20x512xi32, #tpu.memory_space<vmem>> -> memref<1x512xi32, #tpu.memory_space<vmem>>
        %dma_wait3A_41 = tpu.memref_squeeze %dma_wait3A_40 : memref<1x512xi32, #tpu.memory_space<vmem>> -> memref<512xi32, #tpu.memory_space<vmem>>
        %dma_wait3A_42 = arith.constant 0 : i32
        %dma_wait3A_43 = arith.constant 0 : i32
        %dma_wait3A_44 = tpu.memref_slice %arg10[%dma_wait3A_42, %dma_wait3A_43] : memref<10240x16xf32, #tpu.memory_space<vmem_shared>> -> memref<10240x16xf32, #tpu.memory_space<vmem_shared>>
        tpu.wait_indirect_dma semaphore(%run_scoped3A : memref<!tpu.dma_semaphore, #tpu.memory_space<semaphore_mem>>) src(%arg9 : memref<512x16xf32, #tpu.memory_space<vmem>>) dst(%dma_wait3A_44 : memref<10240x16xf32, #tpu.memory_space<vmem_shared>>)
        tpu.yield
      }) : () -> ()
    }
    %scan3A_12 = arith.constant 20 : i32
    %barrier3A_13 = arith.constant 0 : index
    tpu.barrier barrier_id(%barrier3A_13)
    %mul3A_14 = arith.constant 640 : i32
    %mul3A_15 = arith.muli %arg1, %mul3A_14 : i32
    %mul3A_16 = arith.constant 640 : i32
    %mul3A_17 = arith.muli %arg1, %mul3A_16 : i32
    "tpu.region"() ({
      %run_scoped3A = tpu.sem_alloc : memref<!tpu.dma_semaphore, #tpu.memory_space<semaphore_mem>>
      %dma_start3A = arith.constant 0 : i32
      %dma_start3A_18 = arith.constant 0 : i32
      %dma_start3A_19 = tpu.memref_slice %arg6[%arg0, %dma_start3A, %dma_start3A_18] : memref<2x10240x16xf32, #tpu.memory_space<hbm>> -> memref<1x10240x16xf32, #tpu.memory_space<hbm>>
      %dma_start3A_20 = tpu.memref_squeeze %dma_start3A_19 : memref<1x10240x16xf32, #tpu.memory_space<hbm>> -> memref<10240x16xf32, #tpu.memory_space<hbm>>
      %dma_start3A_21 = arith.constant 0 : i32
      %dma_start3A_22 = tpu.memref_slice %dma_start3A_20[%mul3A_17, %dma_start3A_21] : memref<10240x16xf32, #tpu.memory_space<hbm>> -> memref<640x16xf32, #tpu.memory_space<hbm>>
      %dma_start3A_23 = arith.constant 0 : i32
      %dma_start3A_24 = tpu.memref_slice %arg10[%mul3A_15, %dma_start3A_23] : memref<10240x16xf32, #tpu.memory_space<vmem_shared>> -> memref<640x16xf32, #tpu.memory_space<vmem_shared>>
      tpu.enqueue_dma source(%dma_start3A_24 : memref<640x16xf32, #tpu.memory_space<vmem_shared>>) target(%dma_start3A_22 : memref<640x16xf32, #tpu.memory_space<hbm>>) target_semaphore(%run_scoped3A : memref<!tpu.dma_semaphore, #tpu.memory_space<semaphore_mem>>)
      %dma_wait3A = arith.constant 0 : i32
      %dma_wait3A_25 = arith.constant 0 : i32
      %dma_wait3A_26 = tpu.memref_slice %arg6[%arg0, %dma_wait3A, %dma_wait3A_25] : memref<2x10240x16xf32, #tpu.memory_space<hbm>> -> memref<1x10240x16xf32, #tpu.memory_space<hbm>>
      %dma_wait3A_27 = tpu.memref_squeeze %dma_wait3A_26 : memref<1x10240x16xf32, #tpu.memory_space<hbm>> -> memref<10240x16xf32, #tpu.memory_space<hbm>>
      %dma_wait3A_28 = arith.constant 0 : i32
      %dma_wait3A_29 = tpu.memref_slice %dma_wait3A_27[%mul3A_17, %dma_wait3A_28] : memref<10240x16xf32, #tpu.memory_space<hbm>> -> memref<640x16xf32, #tpu.memory_space<hbm>>
      %dma_wait3A_30 = arith.constant 0 : i32
      %dma_wait3A_31 = tpu.memref_slice %arg10[%mul3A_15, %dma_wait3A_30] : memref<10240x16xf32, #tpu.memory_space<vmem_shared>> -> memref<640x16xf32, #tpu.memory_space<vmem_shared>>
      tpu.wait_dma2 semaphore(%run_scoped3A : memref<!tpu.dma_semaphore, #tpu.memory_space<semaphore_mem>>) src(%dma_wait3A_31 : memref<640x16xf32, #tpu.memory_space<vmem_shared>>) dst(%dma_wait3A_29 : memref<640x16xf32, #tpu.memory_space<hbm>>)
      tpu.yield
    }) : () -> ()
    return
  }
}

module attributes {stable_mosaic.version = 14 : i64} {
  func.func @body(%arg0: i32, %arg1: memref<512x128xf32, #tpu.memory_space<vmem>>, %arg2: memref<128x64xf32, #tpu.memory_space<vmem>>, %arg3: memref<32x512xf32, #tpu.memory_space<vmem>>, %arg4: memref<512x64xf32, #tpu.memory_space<vmem>>, %arg5: memref<512x1xf32, #tpu.memory_space<vmem>>) attributes {dimension_semantics = [#tpu.dimension_semantics<arbitrary>], iteration_bounds = array<i64: 20>, scalar_prefetch = 0 : i64, scratch_operands = 0 : i64, tpu.core_type = #tpu.core_type<tc>, window_params = [{transform_indices = @transform_0, window_bounds = array<i64: 512, 128>}, {pipeline_mode = #tpu.pipeline_mode<synchronous>, transform_indices = @transform_1, window_bounds = array<i64: 128, 64>}, {transform_indices = @transform_2, window_bounds = array<i64: 32, 512>}, {transform_indices = @transform_3, window_bounds = array<i64: 512, 64>}, {transform_indices = @transform_4, window_bounds = array<i64: 512, 1>}]} {
    %get3A = arith.constant 0 : index
    %get3A_0 = arith.constant 0 : index
    %get3A_1 = vector.load %arg3[%get3A, %get3A_0] : memref<32x512xf32, #tpu.memory_space<vmem>>, vector<32x512xf32>
    %reduce_sum3A = arith.constant dense<0.000000e+00> : vector<512xf32>
    %reduce_sum3A_2 = vector.multi_reduction <add>, %get3A_1, %reduce_sum3A [0] : vector<32x512xf32> to vector<512xf32>
    %add3A = arith.constant 1.000000e+00 : f32
    %add3A_3 = vector.broadcast %add3A : f32 to vector<512xf32>
    %add3A_4 = arith.addf %reduce_sum3A_2, %add3A_3 : vector<512xf32>
    %rsqrt3A = math.rsqrt %add3A_4 : vector<512xf32>
    %broadcast_in_dim3A = vector.shape_cast %rsqrt3A : vector<512xf32> to vector<512x1xf32>
    %get3A_5 = arith.constant 0 : index
    %get3A_6 = arith.constant 0 : index
    %get3A_7 = vector.load %arg1[%get3A_5, %get3A_6] : memref<512x128xf32, #tpu.memory_space<vmem>>, vector<512x128xf32>
    %get3A_8 = arith.constant 0 : index
    %get3A_9 = arith.constant 0 : index
    %get3A_10 = vector.load %arg2[%get3A_8, %get3A_9] : memref<128x64xf32, #tpu.memory_space<vmem>>, vector<128x64xf32>
    %dot_general3A = arith.constant dense<0.000000e+00> : vector<512x64xf32>
    %dot_general3A_11 = tpu.matmul %get3A_7, %get3A_10, %dot_general3A {dimension_numbers = #tpu.dot_dimension_numbers<[1], [0], [0], [1], [0, 0, 1, 1], [], []>, transpose_lhs_hint = false} : vector<512x128xf32>, vector<128x64xf32>, vector<512x64xf32> -> vector<512x64xf32>
    %mul3A = vector.broadcast %broadcast_in_dim3A : vector<512x1xf32> to vector<512x64xf32>
    %mul3A_12 = arith.mulf %dot_general3A_11, %mul3A : vector<512x64xf32>
    %swap3A = arith.constant 0 : index
    %swap3A_13 = arith.constant 0 : index
    %swap3A_14 = vector.load %arg4[%swap3A, %swap3A_13] : memref<512x64xf32, #tpu.memory_space<vmem>>, vector<512x64xf32>
    tpu.vector_store %arg4[%swap3A, %swap3A_13], %mul3A_12 {strides = array<i32>} : memref<512x64xf32, #tpu.memory_space<vmem>>, vector<512x64xf32>,
    %swap3A_15 = arith.constant 0 : index
    %swap3A_16 = arith.constant 0 : index
    %swap3A_17 = vector.load %arg5[%swap3A_15, %swap3A_16] : memref<512x1xf32, #tpu.memory_space<vmem>>, vector<512x1xf32>
    tpu.vector_store %arg5[%swap3A_15, %swap3A_16], %broadcast_in_dim3A {strides = array<i32>} : memref<512x1xf32, #tpu.memory_space<vmem>>, vector<512x1xf32>,
    return
  }
  func.func @transform_0(%arg0: i32) -> (i32, i32) {
    %c0_i32 = arith.constant 0 : i32
    %c0_i32_0 = arith.constant 0 : i32
    return %arg0, %c0_i32 : i32, i32
  }
  func.func @transform_1(%arg0: i32) -> (i32, i32) {
    %c0_i32 = arith.constant 0 : i32
    %c0_i32_0 = arith.constant 0 : i32
    %c0_i32_1 = arith.constant 0 : i32
    return %c0_i32, %c0_i32_0 : i32, i32
  }
  func.func @transform_2(%arg0: i32) -> (i32, i32) {
    %c0_i32 = arith.constant 0 : i32
    %c0_i32_0 = arith.constant 0 : i32
    return %c0_i32, %arg0 : i32, i32
  }
  func.func @transform_3(%arg0: i32) -> (i32, i32) {
    %c0_i32 = arith.constant 0 : i32
    %c0_i32_0 = arith.constant 0 : i32
    return %arg0, %c0_i32 : i32, i32
  }
  func.func @transform_4(%arg0: i32) -> (i32, i32) {
    %c0_i32 = arith.constant 0 : i32
    %c0_i32_0 = arith.constant 0 : i32
    return %arg0, %c0_i32 : i32, i32
  }
}

module attributes {stable_mosaic.version = 14 : i64} {
  func.func @body(%arg0: i32, %arg1: memref<2x512x64xf32, #tpu.memory_space<vmem>>, %arg2: memref<512x64xf32, #tpu.memory_space<vmem>>, %arg3: memref<512x1xf32, #tpu.memory_space<vmem>>, %arg4: memref<1x64xf32, #tpu.memory_space<vmem>>, %arg5: memref<64x16xf32, #tpu.memory_space<vmem>>, %arg6: memref<512x16xf32, #tpu.memory_space<vmem>>) attributes {dimension_semantics = [#tpu.dimension_semantics<arbitrary>], iteration_bounds = array<i64: 20>, scalar_prefetch = 0 : i64, scratch_operands = 0 : i64, tpu.core_type = #tpu.core_type<tc>, window_params = [{transform_indices = @transform_0, window_bounds = array<i64: 2, 512, 64>}, {transform_indices = @transform_1, window_bounds = array<i64: 512, 64>}, {transform_indices = @transform_2, window_bounds = array<i64: 512, 1>}, {pipeline_mode = #tpu.pipeline_mode<synchronous>, transform_indices = @transform_3, window_bounds = array<i64: 1, 64>}, {pipeline_mode = #tpu.pipeline_mode<synchronous>, transform_indices = @transform_4, window_bounds = array<i64: 64, 16>}, {transform_indices = @transform_5, window_bounds = array<i64: 512, 16>}]} {
    %get3A = arith.constant 0 : index
    %get3A_0 = arith.constant 0 : index
    %get3A_1 = arith.constant 0 : index
    %get3A_2 = vector.load %arg1[%get3A, %get3A_0, %get3A_1] : memref<2x512x64xf32, #tpu.memory_space<vmem>>, vector<1x512x64xf32>
    %get3A_3 = vector.shape_cast %get3A_2 : vector<1x512x64xf32> to vector<512x64xf32>
    %get3A_4 = arith.constant 1 : index
    %get3A_5 = arith.constant 0 : index
    %get3A_6 = arith.constant 0 : index
    %get3A_7 = vector.load %arg1[%get3A_4, %get3A_5, %get3A_6] : memref<2x512x64xf32, #tpu.memory_space<vmem>>, vector<1x512x64xf32>
    %get3A_8 = vector.shape_cast %get3A_7 : vector<1x512x64xf32> to vector<512x64xf32>
    %add3A = arith.addf %get3A_3, %get3A_8 : vector<512x64xf32>
    %get3A_9 = arith.constant 0 : index
    %get3A_10 = arith.constant 0 : index
    %get3A_11 = vector.load %arg2[%get3A_9, %get3A_10] : memref<512x64xf32, #tpu.memory_space<vmem>>, vector<512x64xf32>
    %add3A_12 = arith.addf %add3A, %get3A_11 : vector<512x64xf32>
    %get3A_13 = arith.constant 0 : index
    %get3A_14 = arith.constant 0 : index
    %get3A_15 = vector.load %arg3[%get3A_13, %get3A_14] : memref<512x1xf32, #tpu.memory_space<vmem>>, vector<512x1xf32>
    %mul3A = vector.broadcast %get3A_15 : vector<512x1xf32> to vector<512x64xf32>
    %mul3A_16 = arith.mulf %mul3A, %add3A_12 : vector<512x64xf32>
    %get3A_17 = arith.constant 0 : index
    %get3A_18 = arith.constant 0 : index
    %get3A_19 = vector.load %arg4[%get3A_17, %get3A_18] : memref<1x64xf32, #tpu.memory_space<vmem>>, vector<1x64xf32>
    %add3A_20 = vector.broadcast %get3A_19 : vector<1x64xf32> to vector<512x64xf32>
    %add3A_21 = arith.addf %mul3A_16, %add3A_20 : vector<512x64xf32>
    %max3A = arith.constant 0.000000e+00 : f32
    %max3A_22 = vector.broadcast %max3A : f32 to vector<512x64xf32>
    %max3A_23 = arith.maximumf %add3A_21, %max3A_22 : vector<512x64xf32>
    %get3A_24 = arith.constant 0 : index
    %get3A_25 = arith.constant 0 : index
    %get3A_26 = vector.load %arg5[%get3A_24, %get3A_25] : memref<64x16xf32, #tpu.memory_space<vmem>>, vector<64x16xf32>
    %dot_general3A = arith.constant dense<0.000000e+00> : vector<512x16xf32>
    %dot_general3A_27 = tpu.matmul %max3A_23, %get3A_26, %dot_general3A {dimension_numbers = #tpu.dot_dimension_numbers<[1], [0], [0], [1], [0, 0, 1, 1], [], []>, transpose_lhs_hint = false} : vector<512x64xf32>, vector<64x16xf32>, vector<512x16xf32> -> vector<512x16xf32>
    %get3A_28 = arith.constant 0 : index
    %get3A_29 = arith.constant 0 : index
    %get3A_30 = vector.load %arg3[%get3A_28, %get3A_29] : memref<512x1xf32, #tpu.memory_space<vmem>>, vector<512x1xf32>
    %mul3A_31 = vector.broadcast %get3A_30 : vector<512x1xf32> to vector<512x16xf32>
    %mul3A_32 = arith.mulf %dot_general3A_27, %mul3A_31 : vector<512x16xf32>
    %swap3A = arith.constant 0 : index
    %swap3A_33 = arith.constant 0 : index
    %swap3A_34 = vector.load %arg6[%swap3A, %swap3A_33] : memref<512x16xf32, #tpu.memory_space<vmem>>, vector<512x16xf32>
    tpu.vector_store %arg6[%swap3A, %swap3A_33], %mul3A_32 {strides = array<i32>} : memref<512x16xf32, #tpu.memory_space<vmem>>, vector<512x16xf32>,
    return
  }
  func.func @transform_0(%arg0: i32) -> (i32, i32, i32) {
    %c0_i32 = arith.constant 0 : i32
    %c0_i32_0 = arith.constant 0 : i32
    %c0_i32_1 = arith.constant 0 : i32
    return %c0_i32, %arg0, %c0_i32_0 : i32, i32, i32
  }
  func.func @transform_1(%arg0: i32) -> (i32, i32) {
    %c0_i32 = arith.constant 0 : i32
    %c0_i32_0 = arith.constant 0 : i32
    return %arg0, %c0_i32 : i32, i32
  }
  func.func @transform_2(%arg0: i32) -> (i32, i32) {
    %c0_i32 = arith.constant 0 : i32
    %c0_i32_0 = arith.constant 0 : i32
    return %arg0, %c0_i32 : i32, i32
  }
  func.func @transform_3(%arg0: i32) -> (i32, i32) {
    %c0_i32 = arith.constant 0 : i32
    %c0_i32_0 = arith.constant 0 : i32
    %c0_i32_1 = arith.constant 0 : i32
    return %c0_i32, %c0_i32_0 : i32, i32
  }
  func.func @transform_4(%arg0: i32) -> (i32, i32) {
    %c0_i32 = arith.constant 0 : i32
    %c0_i32_0 = arith.constant 0 : i32
    %c0_i32_1 = arith.constant 0 : i32
    return %c0_i32, %c0_i32_0 : i32, i32
  }
  func.func @transform_5(%arg0: i32) -> (i32, i32) {
    %c0_i32 = arith.constant 0 : i32
    %c0_i32_0 = arith.constant 0 : i32
    return %arg0, %c0_i32 : i32, i32
  }
}

module attributes {stable_mosaic.version = 14 : i64} {
  func.func @body(%arg0: i32, %arg1: memref<2x400x16xf32, #tpu.memory_space<vmem>>, %arg2: memref<400x16xf32, #tpu.memory_space<vmem>>, %arg3: memref<400x1xf32, #tpu.memory_space<vmem>>, %arg4: memref<1x16xf32, #tpu.memory_space<vmem>>, %arg5: memref<400x4xf32, #tpu.memory_space<vmem>>) attributes {dimension_semantics = [#tpu.dimension_semantics<arbitrary>], iteration_bounds = array<i64: 25>, scalar_prefetch = 0 : i64, scratch_operands = 0 : i64, tpu.core_type = #tpu.core_type<tc>, window_params = [{transform_indices = @transform_0, window_bounds = array<i64: 2, 400, 16>}, {transform_indices = @transform_1, window_bounds = array<i64: 400, 16>}, {transform_indices = @transform_2, window_bounds = array<i64: 400, 1>}, {pipeline_mode = #tpu.pipeline_mode<synchronous>, transform_indices = @transform_3, window_bounds = array<i64: 1, 16>}, {transform_indices = @transform_4, window_bounds = array<i64: 400, 4>}]} {
    %get3A = arith.constant 0 : index
    %get3A_0 = arith.constant 0 : index
    %get3A_1 = vector.load %arg3[%get3A, %get3A_0] : memref<400x1xf32, #tpu.memory_space<vmem>>, vector<400x1xf32>
    %get3A_2 = arith.constant 0 : index
    %get3A_3 = arith.constant 0 : index
    %get3A_4 = arith.constant 0 : index
    %get3A_5 = vector.load %arg1[%get3A_2, %get3A_3, %get3A_4] : memref<2x400x16xf32, #tpu.memory_space<vmem>>, vector<1x400x16xf32>
    %get3A_6 = vector.shape_cast %get3A_5 : vector<1x400x16xf32> to vector<400x16xf32>
    %get3A_7 = arith.constant 1 : index
    %get3A_8 = arith.constant 0 : index
    %get3A_9 = arith.constant 0 : index
    %get3A_10 = vector.load %arg1[%get3A_7, %get3A_8, %get3A_9] : memref<2x400x16xf32, #tpu.memory_space<vmem>>, vector<1x400x16xf32>
    %get3A_11 = vector.shape_cast %get3A_10 : vector<1x400x16xf32> to vector<400x16xf32>
    %add3A = arith.addf %get3A_6, %get3A_11 : vector<400x16xf32>
    %get3A_12 = arith.constant 0 : index
    %get3A_13 = arith.constant 0 : index
    %get3A_14 = vector.load %arg2[%get3A_12, %get3A_13] : memref<400x16xf32, #tpu.memory_space<vmem>>, vector<400x16xf32>
    %add3A_15 = arith.addf %add3A, %get3A_14 : vector<400x16xf32>
    %mul3A = vector.broadcast %get3A_1 : vector<400x1xf32> to vector<400x16xf32>
    %mul3A_16 = arith.mulf %mul3A, %add3A_15 : vector<400x16xf32>
    %get3A_17 = arith.constant 0 : index
    %get3A_18 = arith.constant 0 : index
    %get3A_19 = vector.load %arg4[%get3A_17, %get3A_18] : memref<1x16xf32, #tpu.memory_space<vmem>>, vector<1x16xf32>
    %add3A_20 = vector.broadcast %get3A_19 : vector<1x16xf32> to vector<400x16xf32>
    %add3A_21 = arith.addf %mul3A_16, %add3A_20 : vector<400x16xf32>
    %slice3A = vector.extract_strided_slice %add3A_21 {offsets = [0, 0], sizes = [400, 4], strides = [1, 1]} : vector<400x16xf32> to vector<400x4xf32>
    %swap3A = arith.constant 0 : index
    %swap3A_22 = arith.constant 0 : index
    %swap3A_23 = vector.load %arg5[%swap3A, %swap3A_22] : memref<400x4xf32, #tpu.memory_space<vmem>>, vector<400x4xf32>
    tpu.vector_store %arg5[%swap3A, %swap3A_22], %slice3A {strides = array<i32>} : memref<400x4xf32, #tpu.memory_space<vmem>>, vector<400x4xf32>,
    return
  }
  func.func @transform_0(%arg0: i32) -> (i32, i32, i32) {
    %c0_i32 = arith.constant 0 : i32
    %c0_i32_0 = arith.constant 0 : i32
    %c0_i32_1 = arith.constant 0 : i32
    return %c0_i32, %arg0, %c0_i32_0 : i32, i32, i32
  }
  func.func @transform_1(%arg0: i32) -> (i32, i32) {
    %c0_i32 = arith.constant 0 : i32
    %c0_i32_0 = arith.constant 0 : i32
    return %arg0, %c0_i32 : i32, i32
  }
  func.func @transform_2(%arg0: i32) -> (i32, i32) {
    %c0_i32 = arith.constant 0 : i32
    %c0_i32_0 = arith.constant 0 : i32
    return %arg0, %c0_i32 : i32, i32
  }
  func.func @transform_3(%arg0: i32) -> (i32, i32) {
    %c0_i32 = arith.constant 0 : i32
    %c0_i32_0 = arith.constant 0 : i32
    %c0_i32_1 = arith.constant 0 : i32
    return %c0_i32, %c0_i32_0 : i32, i32
  }
  func.func @transform_4(%arg0: i32) -> (i32, i32) {
    %c0_i32 = arith.constant 0 : i32
    %c0_i32_0 = arith.constant 0 : i32
    return %arg0, %c0_i32 : i32, i32
  }
}

</mosaic_0001>

<sc_bundles>
// kernel: kernel.11.cloned.1.call-start
scs
__scs_entry_jumppad:
0x0: {  	(pc) =	sbr.rel $0x88, $3  }
0x1: {  	(tag) =	ssettag $0x0;
	lr =	simm.s32 $0x1  }
0x2: {  	[smem:$0x3F9B] =	sst lr;
	_ =	strace $0xD0000000  }
0x3: {  	_ = 	snop  }
0x4: {  	_ = 	snop  }
0x5: {  	_ = 	snop  }
0x6: {  	_ = 	snop  }
0x7: {  	_ = 	snop  }
__scs_overlays_trampoline_lowered:
0x8: {  	[smem:$0x3FAA] =	sst s0  }
0x9: {  	[smem:$0x3FAB] =	sst s1  }
0xa: {  	[smem:$0x3FAC] =	sst s2  }
0xb: {  	[smem:$0x3FAD] =	sst s3  }
0xc: {  	[smem:$0x3FAE] =	sst s4  }
0xd: {  	[smem:$0x3FAF] =	sst s5  }
0xe: {  	[smem:$0x3FB0] =	sst s6  }
0xf: {  	[smem:$0x3FB1] =	sst s7  }
0x10: {  	[smem:$0x3FB2] =	sst s8  }
0x11: {  	[smem:$0x3FB3] =	sst s9;
	s0 =	simm.s32 @!p0 $0x0  }
0x12: {  	s1 =	sld [smem:$0x3F99];
	s0 =	simm.s32 @p0 $0x1  }
0x13: {  	[smem:$0x3FB4] =	sst s0;
	s0 =	simm.s32 @!p1 $0x0  }
0x14: {  	s2 =	sld [smem:$0x3F98];
	s0 =	simm.s32 @p1 $0x1  }
0x15: {  	[smem:$0x3FB5] =	sst s0;
	s0 =	simm.s32 @!p2 $0x0  }
0x16: {  	s3 =	sld [smem:$0x3FDB];
	s0 =	simm.s32 @p2 $0x1  }
0x17: {  	s4 =	simm.s32 $0x1BF5;
	[smem:$0x3FB7] =	sst s0  }
0x18: {  	s0 =	sld [smem:$0x3F9A];
	_ =	swait.ge [sflag:s4], $0x0  }
0x19: {  	s7 =	sld [smem:$0x3F9B]  }
0x1a: {  	s8 =	sadd.s32 $0xFFFFE003, lr  }
0x1b: {  	s9 =	sadd.s32 $0xFFFFFEF7, lr;
	s5 =	simm.s32 $0xFFFFFFFF;
	p2 =	slt.u32 s8, $0xFFFFF086  }
0x1c: {  	p1 =	slt.u32 s9, $0xF7A;
	s5 =	simm.s32 @!p2 $0x0  }
0x1d: {  	s5 =	simm.s32 @p1 $0x1;
	p0 =	seq.s32 s7, s2  }
0x1e: {  	s7 =	smul.u32 @!p0 $0xF7A, s2;
	p2 =	seq.s32 @!p0 s5, $0x0  }
0x1f: {  	s9 =	smul.u32 $0xF7A, s1;
	s8 =	simm.s32 @!p0 $0x1BF5;
	p2 =	por !p2, p0  }
0x20: {  	[sflag:s8] =	ssyncset.s32 @!p0 $0xFFFFF086;
	s6 =	sadd.s32 @!p0 s3, s7;
	s7 =	simm.s32 @!p0 $0x108  }
0x21: {  	s3 =	sadd.s32 s3, s9;
	s6 =	sadd.s32 @!p0 $0x88, s6;
	s7 =	simm.s32 @p2 $0x1082  }
0x22: {  	[simem:s7], [sflag:s8] =	dma.local @!p0 [hbm:s6], $0xF7A  }
0x23: {  	s9 =	sor.u32 $0xD0000000, s2;
	s6 =	simm.s32 $0x108;
	_ =	swait.ge @!p0 [sflag:s8], $0x0  }
0x24: {  	s3 =	sadd.s32 $0x88, s3;
	s6 =	simm.s32 @!p1 $0x1082;
	[sflag:s4] =	ssyncset.s32 $0xFFFFF086  }
0x25: {  	[simem:s6], [sflag:s4] =	dma.local [hbm:s3], $0xF7A  }
0x26: {  	[smem:$0x3F9B] =	sst s1;
	(tag) =	ssettag s2;
	_ =	strace s9  }
0x27: {  	s1 =	sld [smem:$0x3FAB]  }
0x28: {  	s2 =	sld [smem:$0x3FAC]  }
0x29: {  	s4 =	sld [smem:$0x3FAE]  }
0x2a: {  	p0 =	seq.s32 s5, $0x0;
	s5 =	sld [smem:$0x3FAF]  }
0x2b: {  	s6 =	sld [smem:$0x3FB0]  }
0x2c: {  	s7 =	sld [smem:$0x3FB1]  }
0x2d: {  	s3 =	simm.s32 $0x108;
	s8 =	sld [smem:$0x3FB2]  }
0x2e: {  	s3 =	simm.s32 @!p0 $0x1082;
	s9 =	sld [smem:$0x3FB3]  }
0x2f: {  	lr =	sadd.s32 s0, s3;
	s0 =	sld [smem:$0x3FAA]  }
0x30: {  	s3 =	sld [smem:$0x3FAD]  }
0x31: {  	[smem:$0x3FB6] =	sst s10  }
0x32: {  	s10 =	sld [smem:$0x3FB4];
	_ =	sdelay $0x3  }
0x33: {  	p0 =	seq.s32 s10, $0x1;
	s10 =	sld [smem:$0x3FB6];
	_ =	sdelay $0x3  }
0x34: {  	[smem:$0x3FB6] =	sst s10  }
0x35: {  	s10 =	sld [smem:$0x3FB5];
	_ =	sdelay $0x3  }
0x36: {  	p1 =	seq.s32 s10, $0x1;
	s10 =	sld [smem:$0x3FB6];
	_ =	sdelay $0x3  }
0x37: {  	[smem:$0x3FB6] =	sst s10  }
0x38: {  	s10 =	sld [smem:$0x3FB7]  }
0x39: {  	_ = 	snop;
	(pc) =	sbr.ind lr, $3  }
0x3a: {  	_ = 	snop  }
0x3b: {  	_ = 	snop  }
0x3c: {  	p2 =	seq.s32 s10, $0x1;
	s10 =	sld [smem:$0x3FB6]  }
0x3d: {  	_ =	shalt  }
0x3e: {  	_ =	shalt  }
0x3f: {  	_ =	shalt  }
0x40: {  	_ =	shalt  }
0x41: {  	_ =	shalt  }
0x42: {  	_ =	shalt  }
0x43: {  	_ =	shalt  }
0x44: {  	_ =	shalt  }
0x45: {  	_ =	shalt  }
0x46: {  	_ =	shalt  }
0x47: {  	_ =	shalt  }
0x48: {  	_ =	shalt  }
0x49: {  	_ =	shalt  }
0x4a: {  	_ =	shalt  }
0x4b: {  	_ =	shalt  }
0x4c: {  	_ =	shalt  }
0x4d: {  	_ =	shalt  }
0x4e: {  	_ =	shalt  }
0x4f: {  	_ =	shalt  }
0x50: {  	_ =	shalt  }
0x51: {  	_ =	shalt  }
0x52: {  	_ =	shalt  }
0x53: {  	_ =	shalt  }
0x54: {  	_ =	shalt  }
0x55: {  	_ =	shalt  }
0x56: {  	_ =	shalt  }
0x57: {  	_ =	shalt  }
0x58: {  	_ =	shalt  }
0x59: {  	_ =	shalt  }
0x5a: {  	_ =	shalt  }
0x5b: {  	_ =	shalt  }
0x5c: {  	_ =	shalt  }
0x5d: {  	_ =	shalt  }
0x5e: {  	_ =	shalt  }
0x5f: {  	_ =	shalt  }
0x60: {  	_ =	shalt  }
0x61: {  	_ =	shalt  }
0x62: {  	_ =	shalt  }
0x63: {  	_ =	shalt  }
0x64: {  	_ =	shalt  }
0x65: {  	_ =	shalt  }
0x66: {  	_ =	shalt  }
0x67: {  	_ =	shalt  }
0x68: {  	_ =	shalt  }
0x69: {  	_ =	shalt  }
0x6a: {  	_ =	shalt  }
0x6b: {  	_ =	shalt  }
0x6c: {  	_ =	shalt  }
0x6d: {  	_ =	shalt  }
0x6e: {  	_ =	shalt  }
0x6f: {  	_ =	shalt  }
0x70: {  	_ =	shalt  }
0x71: {  	_ =	shalt  }
0x72: {  	_ =	shalt  }
0x73: {  	_ =	shalt  }
0x74: {  	_ =	shalt  }
0x75: {  	_ =	shalt  }
0x76: {  	_ =	shalt  }
0x77: {  	_ =	shalt  }
0x78: {  	_ =	shalt  }
0x79: {  	_ =	shalt  }
0x7a: {  	_ =	shalt  }
0x7b: {  	_ =	shalt  }
0x7c: {  	_ =	shalt  }
0x7d: {  	_ =	shalt  }
0x7e: {  	_ =	shalt  }
0x7f: {  	_ =	shalt  }
0x80: {  	_ =	shalt  }
0x81: {  	_ =	shalt  }
0x82: {  	_ =	shalt  }
0x83: {  	_ =	shalt  }
0x84: {  	_ =	shalt  }
0x85: {  	_ =	shalt  }
0x86: {  	_ =	shalt  }
0x87: {  	_ =	shalt  }
.Lfunc_end0:
.L_simem_size_0:
called_computation.1_lowered:
.L_overlay_start_0:
0x88: {  	s2 =	sld [smem:$0x3FD9]  }
0x89: {  	s3 =	sld [smem:$0x3FFE];
	_ =	sdelay $0x1  }
0x8a: {  	s1 =	srdreg.scid  }
0x8b: {  	s0 =	sand.u32 $0x1, s1  }
0x8c: {  	s16 =	sshll.u32 s0, $0xA;
	s2 =	sadd.s32 s3, s2  }
0x8d: {  	s2 =	sadd.s32 s2, s16  }
0x8e: {  	[smem:$0x3FC2] =	sst s2  }
0x8f: {  	_ = 	snop  }
0x90: {  	(tm) =	ssettm $0x1  }
0x91: {  	s17 =	sld [smem:$0x3FFB];
	_ =	sdelay $0x3  }
0x92: {  	_ =	strace s17  }
0x93: {  	s2 =	sld [smem:$0x3FFC];
	_ =	sdelay $0x3  }
0x94: {  	_ =	strace s2  }
0x95: {  	s2 =	sld [smem:$0x3FFD];
	_ =	sdelay $0x3  }
0x96: {  	_ =	strace s2  }
0x97: {  	_ =	strace $0x8FFFFFFF  }
0x98: {  	s18 =	sld [smem:$0x3FDB];
	_ =	sdelay $0x1  }
0x99: {  	s19 =	simm.s32 $_scs_section_size  }
0x9a: {  	s4 =	simm.s32 $_size__tile_overlayer_lowered;
	s5 =	simm.s32 $_tile_overlayer_lowered  }
0x9b: {  	s22 =	simm.s32 $0x1BFF;
	s21 =	sshll.u32 s5, $0x1;
	s2 =	sadd.s32 s19, s18  }
0x9c: {  	s6 =	simm.s32 $0x0;
	s20 =	sshll.u32 s4, $0x1;
	s4 =	sadd.s32 s21, s2  }
0x9d: {  	[timem:s6], [sflag:s22] =	dma.local [hbm:s4], s20  }
0x9e: {  	_ =	swait.ge [sflag:s22], s20  }
0x9f: {  	s3 =	ssub.s32 $0x0, s20;
	[sflag:s22] =	ssyncset.done $0x0  }
0xa0: {  	[sflag:s22] =	ssyncadd.s32 s3;
	_ =	sdelay $0x1  }
0xa1: {  	s23 =	simm.s32 $0x1B8B  }
0xa2: {  	_ =	swait.ge [sflag:s23], $0x1  }
0xa3: {  	[sflag:s23] =	ssyncset.done $0x0  }
0xa4: {  	s25 =	simm.s32 $0x1B8E;
	s24 =	sld [smem:$0x3FFE];
	[sflag:s23] =	ssyncadd.s32 $0xFFFFFFFF  }
0xa5: {  	s26 =	simm.s32 $execute0_lowered;
	[smem:$0x3FD2] =	sst s25  }
0xa6: {  	s4 =	sshll.u32 s26, $0x1;
	_ =	strace $0x80000049;
	[dreg:$0x1] =	wrdreg $0xFFFFFFFF  }
0xa7: {  	s28 =	simm.s32 $_size_execute0_lowered;
	s2 =	sadd.s32 s2, s4;
	[dreg:$0x0] =	wrdreg $0x0  }
0xa8: {  	s4 =	sshll.u32 s28, $0x1;
	[dreg:$0x2] =	wrdreg s2  }
0xa9: {  	[dreg:$0x3] =	wrdreg s4  }
0xaa: {  	[dreg:$0x4] =	wrdreg $0xC0  }
0xab: {  	_ =	task [dreg:s6], $0x5FFFF  }
0xac: {  	[dreg:$0x1] =	wrdreg $0xFFFFFFFF  }
0xad: {  	[dreg:$0x0] =	wrdreg $0x60  }
0xae: {  	[dreg:$0x2] =	wrdreg s24  }
0xaf: {  	[dreg:$0x3] =	wrdreg $0xD0000  }
0xb0: {  	[dreg:$0x4] =	wrdreg $0x9  }
0xb1: {  	_ =	task.clear_ibuf [dreg:s6], $0x5FFFF;
	_ =	strace $0x90000049  }
0xb2: {  	s29 =	simm.s32 $0x9;
	_ =	strace $0x8000004B  }
0xb3: {  	_ =	swait.ge [sflag:s29], $0x1  }
0xb4: {  	[sflag:s29] =	ssyncadd.s32 $0xFFFFFFFF  }
0xb5: {  	_ =	strace $0x9000004B  }
0xb6: {  	_ =	sfence  }
0xb7: {  	s30 =	sld [smem:$0x0];
	_ =	sdelay $0x2  }
0xb8: {  	s31 =	sshll.u32 s1, $0xD;
	s1 =	sshrl.u32 s1, $0x2  }
0xb9: {  	s3 =	sand.u32 $0x4000, s31;
	s1 =	sadd.s32 s1, s30  }
0xba: {  	s0 =	sor.u32 s3, s0;
	s1 =	sshll.u32 s1, $0x11  }
0xbb: {  	s0 =	sor.u32 s1, s0  }
0xbc: {  	s0 =	sadd.s32 $0x8F2B, s0  }
0xbd: {  	[sflag:s0] =	ssyncadd.remote.s32 $0x1  }
0xbe: {  	_ =	sfence.sel $0xFFFF  }
0xbf: {  	[dreg:$0x0] =	wrdreg $0xFFFFFFFF;
	(pc) =	sbr.abs _section_cstart, $3  }
0xc0: {  	[dreg:$0x1] =	wrdreg $0xFFFFFFFF  }
0xc1: {  	_ =	task.clear_ibuf [dreg:s6], $0x2FFFF;
	_ =	strace $0x9FFFFFFF  }
0xc2: {  	(tm) =	ssettm $0x7FFFFFFF  }
0xc3: {  	_ =	shalt  }
tec
execute0_lowered:
.L_overlay_start_1:
0x0: {  	(tag) =	ssettag $0x1  }
0x1: {  	s5 =	rddreg [dreg:$0x0]  }
0x2: {  	s1 =	rddreg [dreg:$0x1]  }
0x3: {  	s2 =	srdreg.scid;
	s0 =	rddreg [dreg:$0x2];
	s3 =	simm.s32 $0x0  }
0x4: {  	s13 =	simm.s32 $0x200;
	s14 =	simm.s32 $0x5000;
	s15 =	simm.s32 $0x1  }
0x5: {  	s6 =	sand.u32 $0x1, s2;
	s2 =	stileid.u32;
	[smem:$0x7FF] =	sst s3  }
0x6: {  	s4 =	sshll.u32 s6, $0x4;
	s8 =	smul.u32 $0xA000, s2;
	_ =	strace $0x8000004A  }
0x7: {  	s9 =	smul.u32 $0x14000, s6;
	s6 =	ssub.s32 $0x2, s6;
	s31 =	sshll.u32 s2, $0x6  }
0x8: {  	s7 =	sor.u32 s2, s4;
	s4 =	sadd.s32 $0x1F600, s5;
	s11 =	sshrl.u32 s6, $0x1  }
0x9: {  	s7 =	smul.u32 $0x500, s7;
	s16 =	sshrl.u32 s8, $0x3;
	s9 =	sadd.s32 s9, s5  }
0xa: {  	s11 =	ssub.s32 s6, s11;
	s12 =	sadd.s32 s8, s1;
	s10 =	sadd.s32 s16, s5  }
0xb: {  	s17 =	sadd.s32 $0x47600, s9;
	s8 =	smax.u32 s11, $0x1;
	s9 =	simm.s32 $0x2  }
0xc: {  	s11 =	sor.u32 $0x1C02, s31;
	s12 =	sshrl.u32 s12, $0x3;
	s7 =	sadd.s32 s7, s5  }
0xd: {  	s16 =	sadd.s32 s16, s17;
	s17 =	simm.s32 $0x0;
	s5 =	sadd.s32 $0x15600, s7  }
0xe: {  	s6 =	sadd.s32 $0x1600, s7;
	s7 =	sadd.s32 $0x33600, s10;
	s10 =	simm.s32 $0x2800  }
.LBB2_1:
0xf: {  	[tilespmem:s3], [sflag:$0x2] =	stream.linear.gather [hbm4b:s5+s3], $0x2800, $0x38;
	[tilespmem:$0x17000] =	vst v63  }
0x10: {  	_ =	swait.ge [sflag:s9], $0x2800  }
0x11: {  	[sflag:s9] =	ssyncset.done $0x0  }
0x12: {  	[sflag:s9] =	ssyncadd.s32 $0xFFFFD800  }
0x13: {  	[tilespmem:s10], [sflag:$0x2] =	stream.linear.gather [hbm4b:s6+s3], $0x2800, $0x38;
	[tilespmem:$0x17000] =	vst v63  }
0x14: {  	_ =	swait.ge [sflag:s9], $0x2800  }
0x15: {  	[sflag:s9] =	ssyncset.done $0x0  }
0x16: {  	[sflag:s9] =	ssyncadd.s32 $0xFFFFD800  }
0x17: {  	[spmem:s12], [sflag:s11] =	dma.local [hbm:s7], $0x1400  }
0x18: {  	_ =	swait.ge [sflag:s9], $0x1400  }
0x19: {  	[sflag:s9] =	ssyncset.done $0x0  }
0x1a: {  	[sflag:s9] =	ssyncadd.s32 $0xFFFFEC00  }
0x1b: {  	s18 =	simm.s32 $0x0;
	[bflag:$0x0] =	sbarrier.arrive $0xFFFF  }
0x1c: {  	[tilespmem:s14], [sflag:$0x1] =	stream.indirect.gather [hbm4b:s4+s13], $0x40, s18, s13, $0xb8;
	[tilespmem:$0x17000] =	vst v63  }
0x1d: {  	_ =	swait.ge [sflag:s15], $0x8000  }
0x1e: {  	[sflag:s15] =	ssyncset.done $0x0  }
0x1f: {  	s31 =	simm.s32 $0x2800;
	[sflag:s15] =	ssyncadd.s32 $0xFFFF8000  }
0x20: {  	[spmem:s1] =	stream.indirect.scatter.add.f32 [tilespmem:s14], [sflag:$0x2], $0x40, s31, s13, $0xb8;
	[tilespmem:$0x17000] =	vst v63  }
0x21: {  	_ =	swait.ge [sflag:s9], $0x8000  }
0x22: {  	s19 =	simm.s32 $0x1000;
	s18 =	simm.s32 $0x800;
	[sflag:s9] =	ssyncset.done $0x0  }
.LBB2_2:
0x23: {  	s20 =	sshra.s32 s18, $0x2  }
0x24: {  	[sflag:s9] =	ssyncadd.s32 $0xFFFF8000;
	s18 =	smov.u32 s19;
	s21 =	sadd.s32 $0x800, s19  }
0x25: {  	[tilespmem:s14], [sflag:$0x1] =	stream.indirect.gather [hbm4b:s4+s13], $0x40, s20, s13, $0xb8;
	[tilespmem:$0x17000] =	vst v63  }
0x26: {  	p0 =	sne.s32 s19, $0x9800;
	_ =	swait.ge [sflag:s15], $0x8000  }
.Ltmp0:
0x27: {  	[sflag:s15] =	ssyncset.done $0x0;
	(pc) =	sbr.rel @p0 .LBB2_2-.Ltmp0, $4  }
0x28: {  	s19 =	sadd.s32 $0x2800, s20;
	[sflag:s15] =	ssyncadd.s32 $0xFFFF8000  }
0x29: {  	[spmem:s1] =	stream.indirect.scatter.add.f32 [tilespmem:s14], [sflag:$0x2], $0x40, s19, s13, $0xb8;
	[tilespmem:$0x17000] =	vst v63  }
0x2a: {  	_ =	swait.ge [sflag:s9], $0x8000  }
0x2b: {  	s19 =	smov.u32 s21;
	[sflag:s9] =	ssyncset.done $0x0  }
0x2c: {  	s18 =	sshra.s32 s18, $0x2;
	[sflag:s9] =	ssyncadd.s32 $0xFFFF8000  }
0x2d: {  	[tilespmem:s14], [sflag:$0x1] =	stream.indirect.gather [hbm4b:s4+s13], $0x40, s18, s13, $0xb8;
	[tilespmem:$0x17000] =	vst v63  }
0x2e: {  	_ =	swait.ge [sflag:s15], $0x8000  }
0x2f: {  	[sflag:s15] =	ssyncset.done $0x0  }
0x30: {  	s18 =	sadd.s32 $0x2800, s18;
	[sflag:s15] =	ssyncadd.s32 $0xFFFF8000  }
0x31: {  	[spmem:s1] =	stream.indirect.scatter.add.f32 [tilespmem:s14], [sflag:$0x2], $0x40, s18, s13, $0xb8;
	[tilespmem:$0x17000] =	vst v63  }
0x32: {  	_ =	swait.ge [sflag:s9], $0x8000  }
0x33: {  	s17 =	sadd.s32 $0x1, s17;
	[sflag:s9] =	ssyncset.done $0x0  }
0x34: {  	p0 =	sne.s32 s17, s8;
	[sflag:s9] =	ssyncadd.s32 $0xFFFF8000  }
.Ltmp1:
0x35: {  	[bflag:$0x0] =	sbarrier.arrive $0xFFFF;
	(pc) =	sbr.rel @p0 .LBB2_1-.Ltmp1, $4  }
0x36: {  	[hbm:s16], [sflag:s11] =	dma.local [spmem:s12], $0x1400  }
0x37: {  	_ =	swait.ge [sflag:s9], $0x1400  }
0x38: {  	[sflag:s9] =	ssyncset.done $0x0  }
0x39: {  	[sflag:s9] =	ssyncadd.s32 $0xFFFFEC00  }
0x3a: {  	_ =	sfence.sel $0x180000  }
0x3b: {  	[bflag:$0x0] =	sbarrier.arrive $0xFFFF  }
0x3c: {  	p0 =	sne.s32 s2, $0x0;
	_ =	strace $0x9000004A  }
0x3d: {  	s0 =	sadd.s32 @!p0 $0x100000, s0;
	[bflag:$0x2] =	sbarrier.arrive $0xFFFF  }
0x3e: {  	[sflag:s0] =	ssyncadd.tile.s32 @!p0 $0x1;
	_ =	shalt  }
.Lfunc_end2:
_tile_overlayer_lowered:
.L_overlay_start_2:
0x3f: {  	(tag) =	ssettag $0x2  }
0x40: {  	s0 =	rddreg [dreg:$0x0];
	s2 =	stileid.u32  }
0x41: {  	s1 =	rddreg [dreg:$0x1];
	p0 =	sne.s32 s2, $0x0  }
0x42: {  	s3 =	rddreg [dreg:$0x2];
	[bflag:$0x3] =	sbarrier.arrive $0xFFFF;
	s2 =	simm.s32 @!p0 $0x1C02  }
0x43: {  	[timem:s3], [sflag:s2] =	dma.local @!p0 [hbm:s0], s1  }
0x44: {  	s0 =	simm.s32 @!p0 $0x2  }
0x45: {  	_ =	swait.ge @!p0 [sflag:s0], s1  }
0x46: {  	s1 =	ssub.s32 @!p0 $0x0, s1;
	[sflag:s0] =	ssyncset.done @!p0 $0x0  }
0x47: {  	[sflag:s0] =	ssyncadd.s32 @!p0 s1  }
0x48: {  	[bflag:$0x3] =	sbarrier.arrive $0xFFFF  }
0x49: {  	_ =	shalt  }

// kernel: kernel.14.cloned.1.call-start
scs
__scs_entry_jumppad:
0x0: {  	(pc) =	sbr.rel $0x88, $3  }
0x1: {  	(tag) =	ssettag $0x0;
	lr =	simm.s32 $0x1  }
0x2: {  	[smem:$0x3F9B] =	sst lr;
	_ =	strace $0xD0000000  }
0x3: {  	_ = 	snop  }
0x4: {  	_ = 	snop  }
0x5: {  	_ = 	snop  }
0x6: {  	_ = 	snop  }
0x7: {  	_ = 	snop  }
__scs_overlays_trampoline_lowered:
0x8: {  	[smem:$0x3FAA] =	sst s0  }
0x9: {  	[smem:$0x3FAB] =	sst s1  }
0xa: {  	[smem:$0x3FAC] =	sst s2  }
0xb: {  	[smem:$0x3FAD] =	sst s3  }
0xc: {  	[smem:$0x3FAE] =	sst s4  }
0xd: {  	[smem:$0x3FAF] =	sst s5  }
0xe: {  	[smem:$0x3FB0] =	sst s6  }
0xf: {  	[smem:$0x3FB1] =	sst s7  }
0x10: {  	[smem:$0x3FB2] =	sst s8  }
0x11: {  	[smem:$0x3FB3] =	sst s9;
	s0 =	simm.s32 @!p0 $0x0  }
0x12: {  	s1 =	sld [smem:$0x3F99];
	s0 =	simm.s32 @p0 $0x1  }
0x13: {  	[smem:$0x3FB4] =	sst s0;
	s0 =	simm.s32 @!p1 $0x0  }
0x14: {  	s2 =	sld [smem:$0x3F98];
	s0 =	simm.s32 @p1 $0x1  }
0x15: {  	[smem:$0x3FB5] =	sst s0;
	s0 =	simm.s32 @!p2 $0x0  }
0x16: {  	s3 =	sld [smem:$0x3FDB];
	s0 =	simm.s32 @p2 $0x1  }
0x17: {  	s4 =	simm.s32 $0x1BF5;
	[smem:$0x3FB7] =	sst s0  }
0x18: {  	s0 =	sld [smem:$0x3F9A];
	_ =	swait.ge [sflag:s4], $0x0  }
0x19: {  	s7 =	sld [smem:$0x3F9B]  }
0x1a: {  	s8 =	sadd.s32 $0xFFFFE003, lr  }
0x1b: {  	s9 =	sadd.s32 $0xFFFFFEF7, lr;
	s5 =	simm.s32 $0xFFFFFFFF;
	p2 =	slt.u32 s8, $0xFFFFF086  }
0x1c: {  	p1 =	slt.u32 s9, $0xF7A;
	s5 =	simm.s32 @!p2 $0x0  }
0x1d: {  	s5 =	simm.s32 @p1 $0x1;
	p0 =	seq.s32 s7, s2  }
0x1e: {  	s7 =	smul.u32 @!p0 $0xF7A, s2;
	p2 =	seq.s32 @!p0 s5, $0x0  }
0x1f: {  	s9 =	smul.u32 $0xF7A, s1;
	s8 =	simm.s32 @!p0 $0x1BF5;
	p2 =	por !p2, p0  }
0x20: {  	[sflag:s8] =	ssyncset.s32 @!p0 $0xFFFFF086;
	s6 =	sadd.s32 @!p0 s3, s7;
	s7 =	simm.s32 @!p0 $0x108  }
0x21: {  	s3 =	sadd.s32 s3, s9;
	s6 =	sadd.s32 @!p0 $0x88, s6;
	s7 =	simm.s32 @p2 $0x1082  }
0x22: {  	[simem:s7], [sflag:s8] =	dma.local @!p0 [hbm:s6], $0xF7A  }
0x23: {  	s9 =	sor.u32 $0xD0000000, s2;
	s6 =	simm.s32 $0x108;
	_ =	swait.ge @!p0 [sflag:s8], $0x0  }
0x24: {  	s3 =	sadd.s32 $0x88, s3;
	s6 =	simm.s32 @!p1 $0x1082;
	[sflag:s4] =	ssyncset.s32 $0xFFFFF086  }
0x25: {  	[simem:s6], [sflag:s4] =	dma.local [hbm:s3], $0xF7A  }
0x26: {  	[smem:$0x3F9B] =	sst s1;
	(tag) =	ssettag s2;
	_ =	strace s9  }
0x27: {  	s1 =	sld [smem:$0x3FAB]  }
0x28: {  	s2 =	sld [smem:$0x3FAC]  }
0x29: {  	s4 =	sld [smem:$0x3FAE]  }
0x2a: {  	p0 =	seq.s32 s5, $0x0;
	s5 =	sld [smem:$0x3FAF]  }
0x2b: {  	s6 =	sld [smem:$0x3FB0]  }
0x2c: {  	s7 =	sld [smem:$0x3FB1]  }
0x2d: {  	s3 =	simm.s32 $0x108;
	s8 =	sld [smem:$0x3FB2]  }
0x2e: {  	s3 =	simm.s32 @!p0 $0x1082;
	s9 =	sld [smem:$0x3FB3]  }
0x2f: {  	lr =	sadd.s32 s0, s3;
	s0 =	sld [smem:$0x3FAA]  }
0x30: {  	s3 =	sld [smem:$0x3FAD]  }
0x31: {  	[smem:$0x3FB6] =	sst s10  }
0x32: {  	s10 =	sld [smem:$0x3FB4];
	_ =	sdelay $0x3  }
0x33: {  	p0 =	seq.s32 s10, $0x1;
	s10 =	sld [smem:$0x3FB6];
	_ =	sdelay $0x3  }
0x34: {  	[smem:$0x3FB6] =	sst s10  }
0x35: {  	s10 =	sld [smem:$0x3FB5];
	_ =	sdelay $0x3  }
0x36: {  	p1 =	seq.s32 s10, $0x1;
	s10 =	sld [smem:$0x3FB6];
	_ =	sdelay $0x3  }
0x37: {  	[smem:$0x3FB6] =	sst s10  }
0x38: {  	s10 =	sld [smem:$0x3FB7]  }
0x39: {  	_ = 	snop;
	(pc) =	sbr.ind lr, $3  }
0x3a: {  	_ = 	snop  }
0x3b: {  	_ = 	snop  }
0x3c: {  	p2 =	seq.s32 s10, $0x1;
	s10 =	sld [smem:$0x3FB6]  }
0x3d: {  	_ =	shalt  }
0x3e: {  	_ =	shalt  }
0x3f: {  	_ =	shalt  }
0x40: {  	_ =	shalt  }
0x41: {  	_ =	shalt  }
0x42: {  	_ =	shalt  }
0x43: {  	_ =	shalt  }
0x44: {  	_ =	shalt  }
0x45: {  	_ =	shalt  }
0x46: {  	_ =	shalt  }
0x47: {  	_ =	shalt  }
0x48: {  	_ =	shalt  }
0x49: {  	_ =	shalt  }
0x4a: {  	_ =	shalt  }
0x4b: {  	_ =	shalt  }
0x4c: {  	_ =	shalt  }
0x4d: {  	_ =	shalt  }
0x4e: {  	_ =	shalt  }
0x4f: {  	_ =	shalt  }
0x50: {  	_ =	shalt  }
0x51: {  	_ =	shalt  }
0x52: {  	_ =	shalt  }
0x53: {  	_ =	shalt  }
0x54: {  	_ =	shalt  }
0x55: {  	_ =	shalt  }
0x56: {  	_ =	shalt  }
0x57: {  	_ =	shalt  }
0x58: {  	_ =	shalt  }
0x59: {  	_ =	shalt  }
0x5a: {  	_ =	shalt  }
0x5b: {  	_ =	shalt  }
0x5c: {  	_ =	shalt  }
0x5d: {  	_ =	shalt  }
0x5e: {  	_ =	shalt  }
0x5f: {  	_ =	shalt  }
0x60: {  	_ =	shalt  }
0x61: {  	_ =	shalt  }
0x62: {  	_ =	shalt  }
0x63: {  	_ =	shalt  }
0x64: {  	_ =	shalt  }
0x65: {  	_ =	shalt  }
0x66: {  	_ =	shalt  }
0x67: {  	_ =	shalt  }
0x68: {  	_ =	shalt  }
0x69: {  	_ =	shalt  }
0x6a: {  	_ =	shalt  }
0x6b: {  	_ =	shalt  }
0x6c: {  	_ =	shalt  }
0x6d: {  	_ =	shalt  }
0x6e: {  	_ =	shalt  }
0x6f: {  	_ =	shalt  }
0x70: {  	_ =	shalt  }
0x71: {  	_ =	shalt  }
0x72: {  	_ =	shalt  }
0x73: {  	_ =	shalt  }
0x74: {  	_ =	shalt  }
0x75: {  	_ =	shalt  }
0x76: {  	_ =	shalt  }
0x77: {  	_ =	shalt  }
0x78: {  	_ =	shalt  }
0x79: {  	_ =	shalt  }
0x7a: {  	_ =	shalt  }
0x7b: {  	_ =	shalt  }
0x7c: {  	_ =	shalt  }
0x7d: {  	_ =	shalt  }
0x7e: {  	_ =	shalt  }
0x7f: {  	_ =	shalt  }
0x80: {  	_ =	shalt  }
0x81: {  	_ =	shalt  }
0x82: {  	_ =	shalt  }
0x83: {  	_ =	shalt  }
0x84: {  	_ =	shalt  }
0x85: {  	_ =	shalt  }
0x86: {  	_ =	shalt  }
0x87: {  	_ =	shalt  }
.Lfunc_end0:
.L_simem_size_0:
called_computation.2_lowered:
.L_overlay_start_0:
0x88: {  	s2 =	sld [smem:$0x3FD9]  }
0x89: {  	s3 =	sld [smem:$0x3FFE];
	_ =	sdelay $0x1  }
0x8a: {  	s1 =	srdreg.scid  }
0x8b: {  	s0 =	sand.u32 $0x1, s1  }
0x8c: {  	s16 =	sshll.u32 s0, $0xA;
	s2 =	sadd.s32 s3, s2  }
0x8d: {  	s2 =	sadd.s32 s2, s16  }
0x8e: {  	[smem:$0x3FC2] =	sst s2  }
0x8f: {  	_ = 	snop  }
0x90: {  	(tm) =	ssettm $0x1  }
0x91: {  	s17 =	sld [smem:$0x3FFB];
	_ =	sdelay $0x3  }
0x92: {  	_ =	strace s17  }
0x93: {  	s2 =	sld [smem:$0x3FFC];
	_ =	sdelay $0x3  }
0x94: {  	_ =	strace s2  }
0x95: {  	s2 =	sld [smem:$0x3FFD];
	_ =	sdelay $0x3  }
0x96: {  	_ =	strace s2  }
0x97: {  	_ =	strace $0x8FFFFFFF  }
0x98: {  	s18 =	sld [smem:$0x3FDB];
	_ =	sdelay $0x1  }
0x99: {  	s19 =	simm.s32 $_scs_section_size  }
0x9a: {  	s4 =	simm.s32 $_size__tile_overlayer_lowered;
	s5 =	simm.s32 $_tile_overlayer_lowered  }
0x9b: {  	s22 =	simm.s32 $0x1BFF;
	s21 =	sshll.u32 s5, $0x1;
	s2 =	sadd.s32 s19, s18  }
0x9c: {  	s6 =	simm.s32 $0x0;
	s20 =	sshll.u32 s4, $0x1;
	s4 =	sadd.s32 s21, s2  }
0x9d: {  	[timem:s6], [sflag:s22] =	dma.local [hbm:s4], s20  }
0x9e: {  	_ =	swait.ge [sflag:s22], s20  }
0x9f: {  	s3 =	ssub.s32 $0x0, s20;
	[sflag:s22] =	ssyncset.done $0x0  }
0xa0: {  	[sflag:s22] =	ssyncadd.s32 s3;
	_ =	sdelay $0x1  }
0xa1: {  	s23 =	simm.s32 $0x1B8B  }
0xa2: {  	_ =	swait.ge [sflag:s23], $0x1  }
0xa3: {  	[sflag:s23] =	ssyncset.done $0x0  }
0xa4: {  	s25 =	simm.s32 $0x1B8E;
	s24 =	sld [smem:$0x3FFE];
	[sflag:s23] =	ssyncadd.s32 $0xFFFFFFFF  }
0xa5: {  	s26 =	simm.s32 $execute0_lowered;
	[smem:$0x3FD2] =	sst s25  }
0xa6: {  	s4 =	sshll.u32 s26, $0x1;
	_ =	strace $0x8000004C;
	[dreg:$0x1] =	wrdreg $0xFFFFFFFF  }
0xa7: {  	s28 =	simm.s32 $_size_execute0_lowered;
	s2 =	sadd.s32 s2, s4;
	[dreg:$0x0] =	wrdreg $0x0  }
0xa8: {  	s4 =	sshll.u32 s28, $0x1;
	[dreg:$0x2] =	wrdreg s2  }
0xa9: {  	[dreg:$0x3] =	wrdreg s4  }
0xaa: {  	[dreg:$0x4] =	wrdreg $0xC0  }
0xab: {  	_ =	task [dreg:s6], $0x5FFFF  }
0xac: {  	[dreg:$0x1] =	wrdreg $0xFFFFFFFF  }
0xad: {  	[dreg:$0x0] =	wrdreg $0x60  }
0xae: {  	[dreg:$0x2] =	wrdreg s24  }
0xaf: {  	[dreg:$0x3] =	wrdreg $0x70000  }
0xb0: {  	[dreg:$0x4] =	wrdreg $0x9  }
0xb1: {  	_ =	task.clear_ibuf [dreg:s6], $0x5FFFF;
	_ =	strace $0x9000004C  }
0xb2: {  	s29 =	simm.s32 $0x9;
	_ =	strace $0x8000004E  }
0xb3: {  	_ =	swait.ge [sflag:s29], $0x1  }
0xb4: {  	[sflag:s29] =	ssyncadd.s32 $0xFFFFFFFF  }
0xb5: {  	_ =	strace $0x9000004E  }
0xb6: {  	_ =	sfence  }
0xb7: {  	s30 =	sld [smem:$0x0];
	_ =	sdelay $0x2  }
0xb8: {  	s31 =	sshll.u32 s1, $0xD;
	s1 =	sshrl.u32 s1, $0x2  }
0xb9: {  	s3 =	sand.u32 $0x4000, s31;
	s1 =	sadd.s32 s1, s30  }
0xba: {  	s0 =	sor.u32 s3, s0;
	s1 =	sshll.u32 s1, $0x11  }
0xbb: {  	s0 =	sor.u32 s1, s0  }
0xbc: {  	s0 =	sadd.s32 $0x8F2B, s0  }
0xbd: {  	[sflag:s0] =	ssyncadd.remote.s32 $0x1  }
0xbe: {  	_ =	sfence.sel $0xFFFF  }
0xbf: {  	[dreg:$0x0] =	wrdreg $0xFFFFFFFF;
	(pc) =	sbr.abs _section_cstart, $3  }
0xc0: {  	[dreg:$0x1] =	wrdreg $0xFFFFFFFF  }
0xc1: {  	_ =	task.clear_ibuf [dreg:s6], $0x2FFFF;
	_ =	strace $0x9FFFFFFF  }
0xc2: {  	(tm) =	ssettm $0x7FFFFFFF  }
0xc3: {  	_ =	shalt  }
tec
execute0_lowered:
.L_overlay_start_1:
0x0: {  	(tag) =	ssettag $0x1  }
0x1: {  	s5 =	rddreg [dreg:$0x0]  }
0x2: {  	s1 =	rddreg [dreg:$0x1]  }
0x3: {  	s2 =	srdreg.scid;
	s0 =	rddreg [dreg:$0x2];
	s3 =	simm.s32 $0x0  }
0x4: {  	s13 =	simm.s32 $0x200;
	s14 =	simm.s32 $0x5000;
	s15 =	simm.s32 $0x1  }
0x5: {  	s6 =	sand.u32 $0x1, s2;
	s2 =	stileid.u32;
	[smem:$0x7FF] =	sst s3  }
0x6: {  	s4 =	sshll.u32 s6, $0x4;
	s8 =	smul.u32 $0x2800, s2;
	_ =	strace $0x8000004D  }
0x7: {  	s9 =	smul.u32 $0x5000, s6;
	s6 =	ssub.s32 $0x2, s6;
	s31 =	sshll.u32 s2, $0x6  }
0x8: {  	s7 =	sor.u32 s2, s4;
	s4 =	sadd.s32 $0xB600, s5;
	s11 =	sshrl.u32 s6, $0x1  }
0x9: {  	s7 =	smul.u32 $0x500, s7;
	s16 =	sshrl.u32 s8, $0x3;
	s9 =	sadd.s32 s9, s5  }
0xa: {  	s11 =	ssub.s32 s6, s11;
	s12 =	sadd.s32 s8, s1;
	s10 =	sadd.s32 s16, s5  }
0xb: {  	s17 =	sadd.s32 $0x1F600, s9;
	s8 =	smax.u32 s11, $0x1;
	s9 =	simm.s32 $0x2  }
0xc: {  	s11 =	sor.u32 $0x1C02, s31;
	s12 =	sshrl.u32 s12, $0x3;
	s7 =	sadd.s32 s7, s5  }
0xd: {  	s16 =	sadd.s32 s16, s17;
	s17 =	simm.s32 $0x0;
	s5 =	sadd.s32 $0x15600, s7  }
0xe: {  	s6 =	sadd.s32 $0x1600, s7;
	s7 =	sadd.s32 $0x10600, s10;
	s10 =	simm.s32 $0x2800  }
.LBB2_1:
0xf: {  	[tilespmem:s3], [sflag:$0x2] =	stream.linear.gather [hbm4b:s5+s3], $0x2800, $0x38;
	[tilespmem:$0x9800] =	vst v63  }
0x10: {  	_ =	swait.ge [sflag:s9], $0x2800  }
0x11: {  	[sflag:s9] =	ssyncset.done $0x0  }
0x12: {  	[sflag:s9] =	ssyncadd.s32 $0xFFFFD800  }
0x13: {  	[tilespmem:s10], [sflag:$0x2] =	stream.linear.gather [hbm4b:s6+s3], $0x2800, $0x38;
	[tilespmem:$0x9800] =	vst v63  }
0x14: {  	_ =	swait.ge [sflag:s9], $0x2800  }
0x15: {  	[sflag:s9] =	ssyncset.done $0x0  }
0x16: {  	[sflag:s9] =	ssyncadd.s32 $0xFFFFD800  }
0x17: {  	[spmem:s12], [sflag:s11] =	dma.local [hbm:s7], $0x500  }
0x18: {  	_ =	swait.ge [sflag:s9], $0x500  }
0x19: {  	[sflag:s9] =	ssyncset.done $0x0  }
0x1a: {  	[sflag:s9] =	ssyncadd.s32 $0xFFFFFB00  }
0x1b: {  	s18 =	simm.s32 $0x0;
	[bflag:$0x0] =	sbarrier.arrive $0xFFFF  }
0x1c: {  	[tilespmem:s14], [sflag:$0x1] =	stream.indirect.gather [hbm4b:s4+s13], $0x10, s18, s13, $0xb8;
	[tilespmem:$0x9800] =	vst v63  }
0x1d: {  	_ =	swait.ge [sflag:s15], $0x2000  }
0x1e: {  	[sflag:s15] =	ssyncset.done $0x0  }
0x1f: {  	s31 =	simm.s32 $0x2800;
	[sflag:s15] =	ssyncadd.s32 $0xFFFFE000  }
0x20: {  	[spmem:s1] =	stream.indirect.scatter.add.f32 [tilespmem:s14], [sflag:$0x2], $0x10, s31, s13, $0xb8;
	[tilespmem:$0x9800] =	vst v63  }
0x21: {  	_ =	swait.ge [sflag:s9], $0x2000  }
0x22: {  	s19 =	simm.s32 $0x1000;
	s18 =	simm.s32 $0x800;
	[sflag:s9] =	ssyncset.done $0x0  }
.LBB2_2:
0x23: {  	s20 =	sshra.s32 s18, $0x2  }
0x24: {  	[sflag:s9] =	ssyncadd.s32 $0xFFFFE000;
	s18 =	smov.u32 s19;
	s21 =	sadd.s32 $0x800, s19  }
0x25: {  	[tilespmem:s14], [sflag:$0x1] =	stream.indirect.gather [hbm4b:s4+s13], $0x10, s20, s13, $0xb8;
	[tilespmem:$0x9800] =	vst v63  }
0x26: {  	p0 =	sne.s32 s19, $0x9800;
	_ =	swait.ge [sflag:s15], $0x2000  }
.Ltmp0:
0x27: {  	[sflag:s15] =	ssyncset.done $0x0;
	(pc) =	sbr.rel @p0 .LBB2_2-.Ltmp0, $4  }
0x28: {  	s19 =	sadd.s32 $0x2800, s20;
	[sflag:s15] =	ssyncadd.s32 $0xFFFFE000  }
0x29: {  	[spmem:s1] =	stream.indirect.scatter.add.f32 [tilespmem:s14], [sflag:$0x2], $0x10, s19, s13, $0xb8;
	[tilespmem:$0x9800] =	vst v63  }
0x2a: {  	_ =	swait.ge [sflag:s9], $0x2000  }
0x2b: {  	s19 =	smov.u32 s21;
	[sflag:s9] =	ssyncset.done $0x0  }
0x2c: {  	s18 =	sshra.s32 s18, $0x2;
	[sflag:s9] =	ssyncadd.s32 $0xFFFFE000  }
0x2d: {  	[tilespmem:s14], [sflag:$0x1] =	stream.indirect.gather [hbm4b:s4+s13], $0x10, s18, s13, $0xb8;
	[tilespmem:$0x9800] =	vst v63  }
0x2e: {  	_ =	swait.ge [sflag:s15], $0x2000  }
0x2f: {  	[sflag:s15] =	ssyncset.done $0x0  }
0x30: {  	s18 =	sadd.s32 $0x2800, s18;
	[sflag:s15] =	ssyncadd.s32 $0xFFFFE000  }
0x31: {  	[spmem:s1] =	stream.indirect.scatter.add.f32 [tilespmem:s14], [sflag:$0x2], $0x10, s18, s13, $0xb8;
	[tilespmem:$0x9800] =	vst v63  }
0x32: {  	_ =	swait.ge [sflag:s9], $0x2000  }
0x33: {  	s17 =	sadd.s32 $0x1, s17;
	[sflag:s9] =	ssyncset.done $0x0  }
0x34: {  	p0 =	sne.s32 s17, s8;
	[sflag:s9] =	ssyncadd.s32 $0xFFFFE000  }
.Ltmp1:
0x35: {  	[bflag:$0x0] =	sbarrier.arrive $0xFFFF;
	(pc) =	sbr.rel @p0 .LBB2_1-.Ltmp1, $4  }
0x36: {  	[hbm:s16], [sflag:s11] =	dma.local [spmem:s12], $0x500  }
0x37: {  	_ =	swait.ge [sflag:s9], $0x500  }
0x38: {  	[sflag:s9] =	ssyncset.done $0x0  }
0x39: {  	[sflag:s9] =	ssyncadd.s32 $0xFFFFFB00  }
0x3a: {  	_ =	sfence.sel $0x180000  }
0x3b: {  	[bflag:$0x0] =	sbarrier.arrive $0xFFFF  }
0x3c: {  	p0 =	sne.s32 s2, $0x0;
	_ =	strace $0x9000004D  }
0x3d: {  	s0 =	sadd.s32 @!p0 $0x100000, s0;
	[bflag:$0x2] =	sbarrier.arrive $0xFFFF  }
0x3e: {  	[sflag:s0] =	ssyncadd.tile.s32 @!p0 $0x1;
	_ =	shalt  }
.Lfunc_end2:
_tile_overlayer_lowered:
.L_overlay_start_2:
0x3f: {  	(tag) =	ssettag $0x2  }
0x40: {  	s0 =	rddreg [dreg:$0x0];
	s2 =	stileid.u32  }
0x41: {  	s1 =	rddreg [dreg:$0x1];
	p0 =	sne.s32 s2, $0x0  }
0x42: {  	s3 =	rddreg [dreg:$0x2];
	[bflag:$0x3] =	sbarrier.arrive $0xFFFF;
	s2 =	simm.s32 @!p0 $0x1C02  }
0x43: {  	[timem:s3], [sflag:s2] =	dma.local @!p0 [hbm:s0], s1  }
0x44: {  	s0 =	simm.s32 @!p0 $0x2  }
0x45: {  	_ =	swait.ge @!p0 [sflag:s0], s1  }
0x46: {  	s1 =	ssub.s32 @!p0 $0x0, s1;
	[sflag:s0] =	ssyncset.done @!p0 $0x0  }
0x47: {  	[sflag:s0] =	ssyncadd.s32 @!p0 s1  }
0x48: {  	[bflag:$0x3] =	sbarrier.arrive $0xFFFF  }
0x49: {  	_ =	shalt  }

// kernel: kernel.8.cloned.1.call-start
scs
__scs_entry_jumppad:
0x0: {  	(pc) =	sbr.rel $0x88, $3  }
0x1: {  	(tag) =	ssettag $0x0;
	lr =	simm.s32 $0x1  }
0x2: {  	[smem:$0x3F9B] =	sst lr;
	_ =	strace $0xD0000000  }
0x3: {  	_ = 	snop  }
0x4: {  	_ = 	snop  }
0x5: {  	_ = 	snop  }
0x6: {  	_ = 	snop  }
0x7: {  	_ = 	snop  }
__scs_overlays_trampoline_lowered:
0x8: {  	[smem:$0x3FAA] =	sst s0  }
0x9: {  	[smem:$0x3FAB] =	sst s1  }
0xa: {  	[smem:$0x3FAC] =	sst s2  }
0xb: {  	[smem:$0x3FAD] =	sst s3  }
0xc: {  	[smem:$0x3FAE] =	sst s4  }
0xd: {  	[smem:$0x3FAF] =	sst s5  }
0xe: {  	[smem:$0x3FB0] =	sst s6  }
0xf: {  	[smem:$0x3FB1] =	sst s7  }
0x10: {  	[smem:$0x3FB2] =	sst s8  }
0x11: {  	[smem:$0x3FB3] =	sst s9;
	s0 =	simm.s32 @!p0 $0x0  }
0x12: {  	s1 =	sld [smem:$0x3F99];
	s0 =	simm.s32 @p0 $0x1  }
0x13: {  	[smem:$0x3FB4] =	sst s0;
	s0 =	simm.s32 @!p1 $0x0  }
0x14: {  	s2 =	sld [smem:$0x3F98];
	s0 =	simm.s32 @p1 $0x1  }
0x15: {  	[smem:$0x3FB5] =	sst s0;
	s0 =	simm.s32 @!p2 $0x0  }
0x16: {  	s3 =	sld [smem:$0x3FDB];
	s0 =	simm.s32 @p2 $0x1  }
0x17: {  	s4 =	simm.s32 $0x1BF5;
	[smem:$0x3FB7] =	sst s0  }
0x18: {  	s0 =	sld [smem:$0x3F9A];
	_ =	swait.ge [sflag:s4], $0x0  }
0x19: {  	s7 =	sld [smem:$0x3F9B]  }
0x1a: {  	s8 =	sadd.s32 $0xFFFFE003, lr  }
0x1b: {  	s9 =	sadd.s32 $0xFFFFFEF7, lr;
	s5 =	simm.s32 $0xFFFFFFFF;
	p2 =	slt.u32 s8, $0xFFFFF086  }
0x1c: {  	p1 =	slt.u32 s9, $0xF7A;
	s5 =	simm.s32 @!p2 $0x0  }
0x1d: {  	s5 =	simm.s32 @p1 $0x1;
	p0 =	seq.s32 s7, s2  }
0x1e: {  	s7 =	smul.u32 @!p0 $0xF7A, s2;
	p2 =	seq.s32 @!p0 s5, $0x0  }
0x1f: {  	s9 =	smul.u32 $0xF7A, s1;
	s8 =	simm.s32 @!p0 $0x1BF5;
	p2 =	por !p2, p0  }
0x20: {  	[sflag:s8] =	ssyncset.s32 @!p0 $0xFFFFF086;
	s6 =	sadd.s32 @!p0 s3, s7;
	s7 =	simm.s32 @!p0 $0x108  }
0x21: {  	s3 =	sadd.s32 s3, s9;
	s6 =	sadd.s32 @!p0 $0x88, s6;
	s7 =	simm.s32 @p2 $0x1082  }
0x22: {  	[simem:s7], [sflag:s8] =	dma.local @!p0 [hbm:s6], $0xF7A  }
0x23: {  	s9 =	sor.u32 $0xD0000000, s2;
	s6 =	simm.s32 $0x108;
	_ =	swait.ge @!p0 [sflag:s8], $0x0  }
0x24: {  	s3 =	sadd.s32 $0x88, s3;
	s6 =	simm.s32 @!p1 $0x1082;
	[sflag:s4] =	ssyncset.s32 $0xFFFFF086  }
0x25: {  	[simem:s6], [sflag:s4] =	dma.local [hbm:s3], $0xF7A  }
0x26: {  	[smem:$0x3F9B] =	sst s1;
	(tag) =	ssettag s2;
	_ =	strace s9  }
0x27: {  	s1 =	sld [smem:$0x3FAB]  }
0x28: {  	s2 =	sld [smem:$0x3FAC]  }
0x29: {  	s4 =	sld [smem:$0x3FAE]  }
0x2a: {  	p0 =	seq.s32 s5, $0x0;
	s5 =	sld [smem:$0x3FAF]  }
0x2b: {  	s6 =	sld [smem:$0x3FB0]  }
0x2c: {  	s7 =	sld [smem:$0x3FB1]  }
0x2d: {  	s3 =	simm.s32 $0x108;
	s8 =	sld [smem:$0x3FB2]  }
0x2e: {  	s3 =	simm.s32 @!p0 $0x1082;
	s9 =	sld [smem:$0x3FB3]  }
0x2f: {  	lr =	sadd.s32 s0, s3;
	s0 =	sld [smem:$0x3FAA]  }
0x30: {  	s3 =	sld [smem:$0x3FAD]  }
0x31: {  	[smem:$0x3FB6] =	sst s10  }
0x32: {  	s10 =	sld [smem:$0x3FB4];
	_ =	sdelay $0x3  }
0x33: {  	p0 =	seq.s32 s10, $0x1;
	s10 =	sld [smem:$0x3FB6];
	_ =	sdelay $0x3  }
0x34: {  	[smem:$0x3FB6] =	sst s10  }
0x35: {  	s10 =	sld [smem:$0x3FB5];
	_ =	sdelay $0x3  }
0x36: {  	p1 =	seq.s32 s10, $0x1;
	s10 =	sld [smem:$0x3FB6];
	_ =	sdelay $0x3  }
0x37: {  	[smem:$0x3FB6] =	sst s10  }
0x38: {  	s10 =	sld [smem:$0x3FB7]  }
0x39: {  	_ = 	snop;
	(pc) =	sbr.ind lr, $3  }
0x3a: {  	_ = 	snop  }
0x3b: {  	_ = 	snop  }
0x3c: {  	p2 =	seq.s32 s10, $0x1;
	s10 =	sld [smem:$0x3FB6]  }
0x3d: {  	_ =	shalt  }
0x3e: {  	_ =	shalt  }
0x3f: {  	_ =	shalt  }
0x40: {  	_ =	shalt  }
0x41: {  	_ =	shalt  }
0x42: {  	_ =	shalt  }
0x43: {  	_ =	shalt  }
0x44: {  	_ =	shalt  }
0x45: {  	_ =	shalt  }
0x46: {  	_ =	shalt  }
0x47: {  	_ =	shalt  }
0x48: {  	_ =	shalt  }
0x49: {  	_ =	shalt  }
0x4a: {  	_ =	shalt  }
0x4b: {  	_ =	shalt  }
0x4c: {  	_ =	shalt  }
0x4d: {  	_ =	shalt  }
0x4e: {  	_ =	shalt  }
0x4f: {  	_ =	shalt  }
0x50: {  	_ =	shalt  }
0x51: {  	_ =	shalt  }
0x52: {  	_ =	shalt  }
0x53: {  	_ =	shalt  }
0x54: {  	_ =	shalt  }
0x55: {  	_ =	shalt  }
0x56: {  	_ =	shalt  }
0x57: {  	_ =	shalt  }
0x58: {  	_ =	shalt  }
0x59: {  	_ =	shalt  }
0x5a: {  	_ =	shalt  }
0x5b: {  	_ =	shalt  }
0x5c: {  	_ =	shalt  }
0x5d: {  	_ =	shalt  }
0x5e: {  	_ =	shalt  }
0x5f: {  	_ =	shalt  }
0x60: {  	_ =	shalt  }
0x61: {  	_ =	shalt  }
0x62: {  	_ =	shalt  }
0x63: {  	_ =	shalt  }
0x64: {  	_ =	shalt  }
0x65: {  	_ =	shalt  }
0x66: {  	_ =	shalt  }
0x67: {  	_ =	shalt  }
0x68: {  	_ =	shalt  }
0x69: {  	_ =	shalt  }
0x6a: {  	_ =	shalt  }
0x6b: {  	_ =	shalt  }
0x6c: {  	_ =	shalt  }
0x6d: {  	_ =	shalt  }
0x6e: {  	_ =	shalt  }
0x6f: {  	_ =	shalt  }
0x70: {  	_ =	shalt  }
0x71: {  	_ =	shalt  }
0x72: {  	_ =	shalt  }
0x73: {  	_ =	shalt  }
0x74: {  	_ =	shalt  }
0x75: {  	_ =	shalt  }
0x76: {  	_ =	shalt  }
0x77: {  	_ =	shalt  }
0x78: {  	_ =	shalt  }
0x79: {  	_ =	shalt  }
0x7a: {  	_ =	shalt  }
0x7b: {  	_ =	shalt  }
0x7c: {  	_ =	shalt  }
0x7d: {  	_ =	shalt  }
0x7e: {  	_ =	shalt  }
0x7f: {  	_ =	shalt  }
0x80: {  	_ =	shalt  }
0x81: {  	_ =	shalt  }
0x82: {  	_ =	shalt  }
0x83: {  	_ =	shalt  }
0x84: {  	_ =	shalt  }
0x85: {  	_ =	shalt  }
0x86: {  	_ =	shalt  }
0x87: {  	_ =	shalt  }
.Lfunc_end0:
.L_simem_size_0:
called_computation_lowered:
.L_overlay_start_0:
0x88: {  	s2 =	sld [smem:$0x3FD9]  }
0x89: {  	s3 =	sld [smem:$0x3FFE];
	_ =	sdelay $0x1  }
0x8a: {  	s1 =	srdreg.scid  }
0x8b: {  	s0 =	sand.u32 $0x1, s1  }
0x8c: {  	s17 =	sshll.u32 s0, $0xA;
	s2 =	sadd.s32 s3, s2  }
0x8d: {  	s2 =	sadd.s32 s2, s17  }
0x8e: {  	[smem:$0x3FC2] =	sst s2  }
0x8f: {  	_ = 	snop  }
0x90: {  	s2 =	sld [smem:$0x3FD0];
	(tm) =	ssettm $0x1  }
0x91: {  	s18 =	sld [smem:$0x3FFB];
	_ =	sdelay $0x3  }
0x92: {  	_ =	strace s18  }
0x93: {  	s3 =	sld [smem:$0x3FFC];
	_ =	sdelay $0x3  }
0x94: {  	_ =	strace s3  }
0x95: {  	s3 =	sld [smem:$0x3FFD];
	_ =	sdelay $0x3  }
0x96: {  	_ =	strace s3  }
0x97: {  	_ =	strace $0x8FFFFFFF  }
0x98: {  	s19 =	sld [smem:$0x3FDB];
	_ =	sdelay $0x1  }
0x99: {  	s4 =	simm.s32 $_scs_section_size  }
0x9a: {  	s5 =	simm.s32 $_size__tile_overlayer_lowered;
	s6 =	simm.s32 $_tile_overlayer_lowered  }
0x9b: {  	s22 =	simm.s32 $0x1BFF;
	s21 =	sshll.u32 s6, $0x1;
	s3 =	sadd.s32 s4, s19  }
0x9c: {  	s7 =	simm.s32 $0x0;
	s20 =	sshll.u32 s5, $0x1;
	s5 =	sadd.s32 s21, s3  }
0x9d: {  	[timem:s7], [sflag:s22] =	dma.local [hbm:s5], s20  }
0x9e: {  	_ =	swait.ge [sflag:s22], s20  }
0x9f: {  	s4 =	ssub.s32 $0x0, s20;
	[sflag:s22] =	ssyncset.done $0x0  }
0xa0: {  	[sflag:s22] =	ssyncadd.s32 s4;
	_ =	sdelay $0x1  }
0xa1: {  	s23 =	simm.s32 $0x1B8B  }
0xa2: {  	_ =	swait.ge [sflag:s23], $0x1  }
0xa3: {  	[sflag:s23] =	ssyncset.done $0x0  }
0xa4: {  	s25 =	simm.s32 $0x1B8E;
	s24 =	sld [smem:$0x3FFE];
	[sflag:s23] =	ssyncadd.s32 $0xFFFFFFFF  }
0xa5: {  	s26 =	simm.s32 $execute0_lowered;
	[smem:$0x3FD2] =	sst s25  }
0xa6: {  	s5 =	sshll.u32 s26, $0x1;
	_ =	strace $0x80000046;
	[dreg:$0x1] =	wrdreg $0xFFFFFFFF  }
0xa7: {  	s28 =	simm.s32 $_size_execute0_lowered;
	s3 =	sadd.s32 s3, s5;
	[dreg:$0x0] =	wrdreg $0x0  }
0xa8: {  	s5 =	sshll.u32 s28, $0x1;
	[dreg:$0x2] =	wrdreg s3  }
0xa9: {  	[dreg:$0x3] =	wrdreg s5  }
0xaa: {  	[dreg:$0x4] =	wrdreg $0xC0  }
0xab: {  	_ =	task [dreg:s7], $0x5FFFF  }
0xac: {  	[dreg:$0x1] =	wrdreg $0xFFFFFFFF  }
0xad: {  	[dreg:$0x0] =	wrdreg $0x60  }
0xae: {  	[dreg:$0x2] =	wrdreg s24  }
0xaf: {  	[dreg:$0x3] =	wrdreg s2  }
0xb0: {  	[dreg:$0x4] =	wrdreg $0x9  }
0xb1: {  	_ =	task.clear_ibuf [dreg:s7], $0x5FFFF;
	_ =	strace $0x90000046  }
0xb2: {  	s29 =	simm.s32 $0x9;
	_ =	strace $0x80000048  }
0xb3: {  	_ =	swait.ge [sflag:s29], $0x1  }
0xb4: {  	[sflag:s29] =	ssyncadd.s32 $0xFFFFFFFF  }
0xb5: {  	_ =	strace $0x90000048  }
0xb6: {  	_ =	sfence  }
0xb7: {  	s30 =	sld [smem:$0x0];
	_ =	sdelay $0x2  }
0xb8: {  	s31 =	sshll.u32 s1, $0xD;
	s1 =	sshrl.u32 s1, $0x2  }
0xb9: {  	s3 =	sand.u32 $0x4000, s31;
	s1 =	sadd.s32 s1, s30  }
0xba: {  	s0 =	sor.u32 s3, s0;
	s1 =	sshll.u32 s1, $0x11  }
0xbb: {  	s0 =	sor.u32 s1, s0  }
0xbc: {  	s0 =	sadd.s32 $0x8F2B, s0  }
0xbd: {  	[sflag:s0] =	ssyncadd.remote.s32 $0x1  }
0xbe: {  	_ =	sfence.sel $0xFFFF  }
0xbf: {  	[dreg:$0x0] =	wrdreg $0xFFFFFFFF;
	(pc) =	sbr.abs _section_cstart, $3  }
0xc0: {  	[dreg:$0x1] =	wrdreg $0xFFFFFFFF  }
0xc1: {  	_ =	task.clear_ibuf [dreg:s7], $0x2FFFF;
	_ =	strace $0x9FFFFFFF  }
0xc2: {  	(tm) =	ssettm $0x7FFFFFFF  }
0xc3: {  	_ =	shalt  }
tec
execute0_lowered:
.L_overlay_start_1:
0x0: {  	(tag) =	ssettag $0x1  }
0x1: {  	s0 =	srdreg.scid  }
0x2: {  	s5 =	sand.u32 $0x1, s0  }
0x3: {  	s4 =	rddreg [dreg:$0x0];
	s1 =	stileid.u32;
	s3 =	sshll.u32 s5, $0x4  }
0x4: {  	s2 =	rddreg [dreg:$0x1];
	s6 =	sor.u32 s1, s3  }
0x5: {  	s8 =	simm.s32 $0x2800;
	s9 =	simm.s32 $0x0;
	s6 =	smul.u32 $0x500, s6  }
0x6: {  	s0 =	rddreg [dreg:$0x2];
	s5 =	ssub.s32 $0x2, s5;
	s3 =	simm.s32 $0x0  }
0x7: {  	s7 =	sshrl.u32 s5, $0x1;
	[smem:$0x7FF] =	sst s3;
	s6 =	sadd.s32 s6, s4  }
0x8: {  	s7 =	ssub.s32 s5, s7;
	_ =	strace $0x80000047;
	s4 =	sadd.s32 $0x1600, s6  }
0x9: {  	v0 =	vimm.f32 $1.000000000e+00;
	s5 =	sadd.s32 $0xB600, s6;
	s6 =	smax.u32 s7, $0x1;
	s7 =	simm.s32 $0x1  }
.LBB2_1:
0xa: {  	[tilespmem:s3], [sflag:$0x1] =	stream.linear.gather [hbm4b:s4+s3], $0x2800, $0x38;
	[tilespmem:$0x5000] =	vst v63  }
0xb: {  	_ =	swait.ge [sflag:s7], $0x2800  }
0xc: {  	[sflag:s7] =	ssyncset.done $0x0  }
0xd: {  	[sflag:s7] =	ssyncadd.s32 $0xFFFFD800  }
0xe: {  	[tilespmem:s8], [sflag:$0x1] =	stream.linear.gather [hbm4b:s2+s3], $0x2800, $0x38;
	[tilespmem:$0x5000] =	vst v63  }
0xf: {  	_ =	swait.ge [sflag:s7], $0x2800  }
0x10: {  	[sflag:s7] =	ssyncset.done $0x0  }
0x11: {  	s10 =	simm.s32 $0x0;
	[sflag:s7] =	ssyncadd.s32 $0xFFFFD800  }
.LBB2_2:
0x12: {  	s11 =	sshra.s32 s10, $0x2  }
0x13: {  	v1 =	vld [tilespmem:s11+$0x0];
	_ =	sdelay $0x7  }
0x14: {  	[tilespmem:v1+s8+$0x0] =	vst.idx.add.f32.msk $0xffff, v0  }
0x15: {  	v1 =	vld [tilespmem:s11+$0x10];
	_ =	sdelay $0x7  }
0x16: {  	[tilespmem:v1+s8+$0x0] =	vst.idx.add.f32.msk $0xffff, v0  }
0x17: {  	v1 =	vld [tilespmem:s11+$0x20];
	_ =	sdelay $0x7  }
0x18: {  	[tilespmem:v1+s8+$0x0] =	vst.idx.add.f32.msk $0xffff, v0  }
0x19: {  	v1 =	vld [tilespmem:s11+$0x30];
	_ =	sdelay $0x7  }
0x1a: {  	[tilespmem:v1+s8+$0x0] =	vst.idx.add.f32.msk $0xffff, v0  }
0x1b: {  	v1 =	vld [tilespmem:s11+$0x40];
	_ =	sdelay $0x7  }
0x1c: {  	[tilespmem:v1+s8+$0x0] =	vst.idx.add.f32.msk $0xffff, v0  }
0x1d: {  	v1 =	vld [tilespmem:s11+$0x50];
	_ =	sdelay $0x7  }
0x1e: {  	[tilespmem:v1+s8+$0x0] =	vst.idx.add.f32.msk $0xffff, v0  }
0x1f: {  	v1 =	vld [tilespmem:s11+$0x60];
	_ =	sdelay $0x7  }
0x20: {  	[tilespmem:v1+s8+$0x0] =	vst.idx.add.f32.msk $0xffff, v0  }
0x21: {  	v1 =	vld [tilespmem:s11+$0x70];
	_ =	sdelay $0x2  }
0x22: {  	p0 =	sne.s32 s10, $0x9E00  }
.Ltmp0:
0x23: {  	_ = 	snop;
	(pc) =	sbr.rel @p0 .LBB2_2-.Ltmp0, $2  }
0x24: {  	_ =	sdelay $0x2  }
0x25: {  	s10 =	sadd.s32 $0x200, s10;
	[tilespmem:v1+s8+$0x0] =	vst.idx.add.f32.msk $0xffff, v0  }
0x26: {  	s9 =	sadd.s32 $0x1, s9  }
0x27: {  	p0 =	sne.s32 s9, s6  }
.Ltmp1:
0x28: {  	_ = 	snop;
	(pc) =	sbr.rel @p0 .LBB2_1-.Ltmp1, $4  }
0x29: {  	[hbm4b:s5+s3] =	stream.linear.scatter [tilespmem:s8], [sflag:$0x1], $0x2800, $0x38;
	[tilespmem:$0x5000] =	vst v63  }
0x2a: {  	_ =	swait.ge [sflag:s7], $0x2800  }
0x2b: {  	[sflag:s7] =	ssyncset.done $0x0  }
0x2c: {  	[sflag:s7] =	ssyncadd.s32 $0xFFFFD800  }
0x2d: {  	_ =	sfence.sel $0x180000  }
0x2e: {  	[bflag:$0x0] =	sbarrier.arrive $0xFFFF  }
0x2f: {  	p0 =	sne.s32 s1, $0x0;
	_ =	strace $0x90000047  }
0x30: {  	s0 =	sadd.s32 @!p0 $0x100000, s0;
	[bflag:$0x2] =	sbarrier.arrive $0xFFFF  }
0x31: {  	[sflag:s0] =	ssyncadd.tile.s32 @!p0 $0x1;
	_ =	shalt  }
.Lfunc_end2:
_tile_overlayer_lowered:
.L_overlay_start_2:
0x32: {  	(tag) =	ssettag $0x2  }
0x33: {  	s0 =	rddreg [dreg:$0x0];
	s2 =	stileid.u32  }
0x34: {  	s1 =	rddreg [dreg:$0x1];
	p0 =	sne.s32 s2, $0x0  }
0x35: {  	s3 =	rddreg [dreg:$0x2];
	[bflag:$0x3] =	sbarrier.arrive $0xFFFF;
	s2 =	simm.s32 @!p0 $0x1C01  }
0x36: {  	[timem:s3], [sflag:s2] =	dma.local @!p0 [hbm:s0], s1  }
0x37: {  	s0 =	simm.s32 @!p0 $0x1  }
0x38: {  	_ =	swait.ge @!p0 [sflag:s0], s1  }
0x39: {  	s1 =	ssub.s32 @!p0 $0x0, s1;
	[sflag:s0] =	ssyncset.done @!p0 $0x0  }
0x3a: {  	[sflag:s0] =	ssyncadd.s32 @!p0 s1  }
0x3b: {  	[bflag:$0x3] =	sbarrier.arrive $0xFFFF  }
0x3c: {  	_ =	shalt  }

</sc_bundles>
